<compile_context>
chip_gen: v7x
topology: tpu7x:2x2x1
jax: 0.10.2.dev20260603
libtpu: 0.0.44.dev20260713+nightly
codegen_flags: <defaults>
</compile_context>

<pallas_src>
import functools

import jax
import jax.numpy as jnp
from jax import lax
from jax.experimental import pallas as pl
from jax.experimental.pallas import tpu as pltpu
from jax.experimental.pallas import tpu_sc as plsc

_C = 128
_CW = 128


def _sc_segsum_body(nfull, ntail, niter,
                    z, batch, zzero, czero, ones_in,
                    out, outc,
                    acc, cnt, zbuf0, zbuf1, idx2, onesbuf,
                    ztail, idxtail, onestail, semz0, semz1, semi0, semi1):
    cidx = lax.axis_index("c")
    sid = lax.axis_index("s")
    wid = sid * 2 + cidx
    zbufs = (zbuf0, zbuf1)
    semz = (semz0, semz1)
    semi = (semi0, semi1)

    @pl.when(sid == 0)
    def _init():
        pltpu.sync_copy(zzero, acc)
        pltpu.sync_copy(czero, cnt)

    pltpu.sync_copy(ones_in, onesbuf)
    if ntail:
        pltpu.sync_copy(ones_in.at[pl.ds(0, ntail)], onestail)

    def fire(c, b):
        @pl.when(c < nfull)
        def _():
            base = c * _C
            pltpu.async_copy(z.at[pl.ds(base, _C)], zbufs[b], semz[b])
            pltpu.async_copy(batch.at[pl.ds(base, _C)], idx2.at[b], semi[b])

    def drain_and_scatter(c, b):
        @pl.when(c < nfull)
        def _():
            base = c * _C
            pltpu.make_async_copy(z.at[pl.ds(base, _C)], zbufs[b], semz[b]).wait()
            pltpu.make_async_copy(batch.at[pl.ds(base, _C)], idx2.at[b], semi[b]).wait()
            pltpu.sync_copy(zbufs[b], acc.at[idx2.at[b]], add=True)
            pltpu.sync_copy(onesbuf, cnt.at[idx2.at[b]], add=True)

        if ntail:
            @pl.when(c == nfull)
            def _tail():
                base = nfull * _C
                pltpu.sync_copy(z.at[pl.ds(base, ntail)], ztail)
                pltpu.sync_copy(batch.at[pl.ds(base, ntail)], idxtail)
                pltpu.sync_copy(ztail, acc.at[idxtail], add=True)
                pltpu.sync_copy(onestail, cnt.at[idxtail], add=True)

    fire(wid, 0)
    plsc.subcore_barrier()

    npairs = (niter + 1) // 2

    def step(p, carry):
        i0 = 2 * p
        for b in (0, 1):
            i = i0 + b
            c = wid + 32 * i
            fire(wid + 32 * (i + 1), 1 - b)
            drain_and_scatter(c, b)
        return carry

    lax.fori_loop(0, npairs, step, None)
    plsc.subcore_barrier()

    @pl.when(sid == 0)
    def _flush():
        pltpu.sync_copy(acc, out.at[cidx])
        pltpu.sync_copy(cnt, outc.at[cidx])


def _sc_segment_sum(z, batch, num_graphs):
    N, d_z = z.shape
    nfull = N // _C
    ntail = N - nfull * _C
    nchunks = nfull + (1 if ntail else 0)
    niter = (nchunks + 31) // 32

    zzero = jnp.zeros((num_graphs, d_z), jnp.float32)
    czero = jnp.zeros((num_graphs, _CW), jnp.float32)
    ones_in = jnp.ones((_C, _CW), jnp.float32)

    mesh = plsc.VectorSubcoreMesh(core_axis_name="c", subcore_axis_name="s")
    body = functools.partial(_sc_segsum_body, nfull, ntail, niter)
    scratch = [
        pltpu.VMEM_SHARED((num_graphs, d_z), jnp.float32),
        pltpu.VMEM_SHARED((num_graphs, _CW), jnp.float32),
        pltpu.VMEM((_C, d_z), jnp.float32),
        pltpu.VMEM((_C, d_z), jnp.float32),
        pltpu.VMEM((2, _C), jnp.int32),
        pltpu.VMEM((_C, _CW), jnp.float32),
        pltpu.VMEM((max(ntail, 1), d_z), jnp.float32),
        pltpu.VMEM((max(ntail, 1),), jnp.int32),
        pltpu.VMEM((max(ntail, 1), _CW), jnp.float32),
        pltpu.SemaphoreType.DMA,
        pltpu.SemaphoreType.DMA,
        pltpu.SemaphoreType.DMA,
        pltpu.SemaphoreType.DMA,
    ]
    out_type = (jax.ShapeDtypeStruct((2, num_graphs, d_z), jnp.float32),
                jax.ShapeDtypeStruct((2, num_graphs, _CW), jnp.float32))
    return pl.kernel(body, out_type, mesh=mesh, scratch_types=scratch)(
        z, batch, zzero, czero, ones_in)


def _dense_body(bs_ref, p_ref, c_ref, u_ref, ph_ref, Wg_ref, bg_ref,
                Wih_ref, Whh_ref, bih_ref, bhh_ref, out_ref):
    seg = p_ref[0] + p_ref[1]
    counts = (c_ref[0] + c_ref[1])[:, :1]
    graph_emb = seg / jnp.maximum(counts, 1.0) + bs_ref[0, 0]
    glob = jax.lax.dot_general(u_ref[...], Wg_ref[...], (((1,), (1,)), ((), ())),
                               preferred_element_type=jnp.float32)
    glob = jnp.maximum(glob + bg_ref[...], 0.0)
    fused = jnp.concatenate([graph_emb, glob], axis=1)
    gi = jax.lax.dot_general(fused, Wih_ref[...], (((1,), (1,)), ((), ())),
                             preferred_element_type=jnp.float32) + bih_ref[...]
    ph = ph_ref[...]
    gh = jax.lax.dot_general(ph, Whh_ref[...], (((1,), (1,)), ((), ())),
                             preferred_element_type=jnp.float32) + bhh_ref[...]
    d_h = ph.shape[1]
    i_r, i_z, i_n = gi[:, :d_h], gi[:, d_h:2 * d_h], gi[:, 2 * d_h:]
    h_r, h_z, h_n = gh[:, :d_h], gh[:, d_h:2 * d_h], gh[:, 2 * d_h:]
    r = jax.nn.sigmoid(i_r + h_r)
    zg = jax.nn.sigmoid(i_z + h_z)
    n = jnp.tanh(i_n + r * h_n)
    out_ref[...] = (1.0 - zg) * n + zg * ph


def kernel(z, u, x, edge_index, batch, batch_size, prev_h, W_glob, b_glob,
           W_ih, W_hh, b_ih, b_hh):
    del x, edge_index
    G, d_h = prev_h.shape
    bs_res = (jnp.asarray(batch_size, jnp.float32) - G).reshape(1, 1)

    partials, cnts = _sc_segment_sum(z, batch, G)

    out = pl.pallas_call(
        _dense_body,
        out_shape=jax.ShapeDtypeStruct((G, d_h), jnp.float32),
    )(bs_res, partials, cnts, u, prev_h, W_glob, b_glob.reshape(1, -1),
      W_ih, W_hh, b_ih.reshape(1, -1), b_hh.reshape(1, -1))
    return (out, out)

# --- scband reference (transcript-rebuilt; emitter-appended) ---
"""Pipeline reference for scband-temporal-fusion-29935922053229 (READ-ONLY COPY).

The authoritative reference and input builder live on the scoring server;
editing this copy changes nothing except your own understanding.
"""

import jax, jax.numpy as jnp
import numpy as np


def setup_inputs(seed: int = 0) -> dict:
    key = jax.random.key(seed)
    ks = jax.random.split(key, 12)
    N, E, B = 100000, 1600000, 1024
    d_z, d_u, d_g, d_h = 128, 256, 128, 256
    z = jax.random.normal(ks[0], (N, d_z), dtype=jnp.float32)
    u = jax.random.normal(ks[1], (B, d_u), dtype=jnp.float32)
    x = jax.random.normal(ks[2], (N, d_z), dtype=jnp.float32)
    edge_index = jax.random.randint(ks[3], (2, E), 0, N, dtype=jnp.int32)
    batch = jnp.sort(jax.random.randint(ks[4], (N,), 0, B, dtype=jnp.int32))
    prev_h = jax.random.normal(ks[5], (B, d_h), dtype=jnp.float32)
    W_glob = jax.random.normal(ks[6], (d_g, d_u), dtype=jnp.float32) * (1.0 / np.sqrt(d_u))
    b_glob = jnp.zeros((d_g,), dtype=jnp.float32)
    W_ih = jax.random.normal(ks[7], (3 * d_h, d_z + d_g), dtype=jnp.float32) * (1.0 / np.sqrt(d_z + d_g))
    W_hh = jax.random.normal(ks[8], (3 * d_h, d_h), dtype=jnp.float32) * (1.0 / np.sqrt(d_h))
    b_ih = jnp.zeros((3 * d_h,), dtype=jnp.float32)
    b_hh = jnp.zeros((3 * d_h,), dtype=jnp.float32)
    return {"z": z, "u": u, "x": x, "edge_index": edge_index, "batch": batch,
            "batch_size": B, "prev_h": prev_h, "W_glob": W_glob, "b_glob": b_glob,
            "W_ih": W_ih, "W_hh": W_hh, "b_ih": b_ih, "b_hh": b_hh}


def reference(z, u, x, edge_index, batch, batch_size, prev_h, W_glob, b_glob, W_ih, W_hh, b_ih, b_hh):
    num_graphs = prev_h.shape[0]
    bs_residual = (jnp.asarray(batch_size) - num_graphs).astype(z.dtype)
    # GraphGlobalFusion: mean readout over nodes per graph
    seg_sum = jax.ops.segment_sum(z, batch, num_segments=num_graphs)
    counts = jax.ops.segment_sum(jnp.ones((z.shape[0], 1), dtype=z.dtype), batch, num_segments=num_graphs)
    graph_emb = seg_sum / jnp.clip(counts, 1.0) + bs_residual
    # global projection + relu
    glob_emb = jax.nn.relu(u @ W_glob.T + b_glob)
    fused = jnp.concatenate([graph_emb, glob_emb], axis=-1)
    # nn.GRUCell (torch gate ordering: r, z, n)
    gi = fused @ W_ih.T + b_ih
    gh = prev_h @ W_hh.T + b_hh
    i_r, i_z, i_n = jnp.split(gi, 3, axis=1)
    h_r, h_z, h_n = jnp.split(gh, 3, axis=1)
    r = jax.nn.sigmoid(i_r + h_r)
    zg = jax.nn.sigmoid(i_z + h_z)
    n = jnp.tanh(i_n + r * h_n)
    h = (1.0 - zg) * n + zg * prev_h
    # mode='graph' returns (h, h, c) with c=None for GRU
    return (h, h)

if __name__ == "__main__":
    import jax
    _d = setup_inputs()
    print(jax.jit(kernel)(*tuple(_d.values())))

</pallas_src>

<mosaic_0001>
#map = affine_map<(d0, d1) -> (0, 0)>
#map1 = affine_map<(d0, d1) -> (0)>
#map2 = affine_map<(d0, d1) -> (0, 0, 0)>
module attributes {stable_mosaic.version = 14 : i64} {
  func.func @_sc_segsum_body(%arg0: i32, %arg1: i32, %arg2: memref<100000x128xf32, #tpu.memory_space<hbm>>, %arg3: memref<100000xi32, #tpu.memory_space<hbm>>, %arg4: memref<1024x128xf32, #tpu.memory_space<hbm>>, %arg5: memref<1024x128xf32, #tpu.memory_space<hbm>>, %arg6: memref<128x128xf32, #tpu.memory_space<hbm>>, %arg7: memref<2x1024x128xf32, #tpu.memory_space<hbm>>, %arg8: memref<2x1024x128xf32, #tpu.memory_space<hbm>>, %arg9: memref<1024x128xf32, #tpu.memory_space<vmem_shared>>, %arg10: memref<1024x128xf32, #tpu.memory_space<vmem_shared>>, %arg11: memref<128x128xf32, #tpu.memory_space<vmem>>, %arg12: memref<128x128xf32, #tpu.memory_space<vmem>>, %arg13: memref<2x128xi32, #tpu.memory_space<vmem>>, %arg14: memref<128x128xf32, #tpu.memory_space<vmem>>, %arg15: memref<32x128xf32, #tpu.memory_space<vmem>>, %arg16: memref<32xi32, #tpu.memory_space<vmem>>, %arg17: memref<32x128xf32, #tpu.memory_space<vmem>>, %arg18: memref<!tpu.dma_semaphore, #tpu.memory_space<semaphore_mem>>, %arg19: memref<!tpu.dma_semaphore, #tpu.memory_space<semaphore_mem>>, %arg20: memref<!tpu.dma_semaphore, #tpu.memory_space<semaphore_mem>>, %arg21: memref<!tpu.dma_semaphore, #tpu.memory_space<semaphore_mem>>) attributes {dimension_semantics = [#tpu.dimension_semantics<core_parallel>, #tpu.dimension_semantics<subcore_parallel>], iteration_bounds = array<i64: 2, 16>, scalar_prefetch = 0 : i64, scratch_operands = 13 : i64, tpu.core_type = #tpu.core_type<sc_vector_subcore>, window_params = [{transform_indices = #map}, {transform_indices = #map1}, {transform_indices = #map}, {transform_indices = #map}, {transform_indices = #map}, {transform_indices = #map2}, {transform_indices = #map2}]} {
    %mul3A = arith.constant 2 : i32
    %mul3A_0 = arith.muli %arg1, %mul3A : i32
    %add3A = arith.addi %mul3A_0, %arg0 : i32
    %eq3A = arith.constant 0 : i32
    %eq3A_1 = arith.cmpi eq, %arg1, %eq3A : i32
    %convert_element_type3A = arith.extui %eq3A_1 : i1 to i32
    %cond3A = arith.constant 0 : i32
    %cond3A_2 = arith.cmpi ne, %convert_element_type3A, %cond3A : i32
    scf.if %cond3A_2 {
      "tpu.region"() ({
        %run_scoped3A = tpu.sem_alloc : memref<!tpu.dma_semaphore, #tpu.memory_space<semaphore_mem>>
        tpu.enqueue_dma source(%arg4 : memref<1024x128xf32, #tpu.memory_space<hbm>>) target(%arg9 : memref<1024x128xf32, #tpu.memory_space<vmem_shared>>) target_semaphore(%run_scoped3A : memref<!tpu.dma_semaphore, #tpu.memory_space<semaphore_mem>>)
        tpu.wait_dma2 semaphore(%run_scoped3A : memref<!tpu.dma_semaphore, #tpu.memory_space<semaphore_mem>>) src(%arg4 : memref<1024x128xf32, #tpu.memory_space<hbm>>) dst(%arg9 : memref<1024x128xf32, #tpu.memory_space<vmem_shared>>)
        tpu.yield
      }) : () -> ()
      "tpu.region"() ({
        %run_scoped3A = tpu.sem_alloc : memref<!tpu.dma_semaphore, #tpu.memory_space<semaphore_mem>>
        tpu.enqueue_dma source(%arg5 : memref<1024x128xf32, #tpu.memory_space<hbm>>) target(%arg10 : memref<1024x128xf32, #tpu.memory_space<vmem_shared>>) target_semaphore(%run_scoped3A : memref<!tpu.dma_semaphore, #tpu.memory_space<semaphore_mem>>)
        tpu.wait_dma2 semaphore(%run_scoped3A : memref<!tpu.dma_semaphore, #tpu.memory_space<semaphore_mem>>) src(%arg5 : memref<1024x128xf32, #tpu.memory_space<hbm>>) dst(%arg10 : memref<1024x128xf32, #tpu.memory_space<vmem_shared>>)
        tpu.yield
      }) : () -> ()
    } else {
    }
    "tpu.region"() ({
      %run_scoped3A = tpu.sem_alloc : memref<!tpu.dma_semaphore, #tpu.memory_space<semaphore_mem>>
      tpu.enqueue_dma source(%arg6 : memref<128x128xf32, #tpu.memory_space<hbm>>) target(%arg14 : memref<128x128xf32, #tpu.memory_space<vmem>>) target_semaphore(%run_scoped3A : memref<!tpu.dma_semaphore, #tpu.memory_space<semaphore_mem>>)
      tpu.wait_dma2 semaphore(%run_scoped3A : memref<!tpu.dma_semaphore, #tpu.memory_space<semaphore_mem>>) src(%arg6 : memref<128x128xf32, #tpu.memory_space<hbm>>) dst(%arg14 : memref<128x128xf32, #tpu.memory_space<vmem>>)
      tpu.yield
    }) : () -> ()
    "tpu.region"() ({
      %run_scoped3A = tpu.sem_alloc : memref<!tpu.dma_semaphore, #tpu.memory_space<semaphore_mem>>
      %dma_start3A = arith.constant 0 : i32
      %dma_start3A_17 = arith.constant 0 : i32
      %dma_start3A_18 = tpu.memref_slice %arg6[%dma_start3A, %dma_start3A_17] : memref<128x128xf32, #tpu.memory_space<hbm>> -> memref<32x128xf32, #tpu.memory_space<hbm>>
      %dma_start3A_19 = arith.constant 0 : i32
      %dma_start3A_20 = arith.constant 0 : i32
      %dma_start3A_21 = tpu.memref_slice %arg6[%dma_start3A_19, %dma_start3A_20] : memref<128x128xf32, #tpu.memory_space<hbm>> -> memref<32x128xf32, #tpu.memory_space<hbm>>
      tpu.enqueue_dma source(%dma_start3A_21 : memref<32x128xf32, #tpu.memory_space<hbm>>) target(%arg17 : memref<32x128xf32, #tpu.memory_space<vmem>>) target_semaphore(%run_scoped3A : memref<!tpu.dma_semaphore, #tpu.memory_space<semaphore_mem>>)
      %dma_wait3A = arith.constant 0 : i32
      %dma_wait3A_22 = arith.constant 0 : i32
      %dma_wait3A_23 = tpu.memref_slice %arg6[%dma_wait3A, %dma_wait3A_22] : memref<128x128xf32, #tpu.memory_space<hbm>> -> memref<32x128xf32, #tpu.memory_space<hbm>>
      %dma_wait3A_24 = arith.constant 0 : i32
      %dma_wait3A_25 = arith.constant 0 : i32
      %dma_wait3A_26 = tpu.memref_slice %arg6[%dma_wait3A_24, %dma_wait3A_25] : memref<128x128xf32, #tpu.memory_space<hbm>> -> memref<32x128xf32, #tpu.memory_space<hbm>>
      tpu.wait_dma2 semaphore(%run_scoped3A : memref<!tpu.dma_semaphore, #tpu.memory_space<semaphore_mem>>) src(%dma_wait3A_26 : memref<32x128xf32, #tpu.memory_space<hbm>>) dst(%arg17 : memref<32x128xf32, #tpu.memory_space<vmem>>)
      tpu.yield
    }) : () -> ()
    %lt3A = arith.constant 781 : i32
    %lt3A_3 = arith.cmpi slt, %add3A, %lt3A : i32
    %convert_element_type3A_4 = arith.extui %lt3A_3 : i1 to i32
    %cond3A_5 = arith.constant 0 : i32
    %cond3A_6 = arith.cmpi ne, %convert_element_type3A_4, %cond3A_5 : i32
    scf.if %cond3A_6 {
      %mul3A_17 = arith.constant 128 : i32
      %mul3A_18 = arith.muli %add3A, %mul3A_17 : i32
      %dma_start3A = arith.constant 0 : i32
      %dma_start3A_19 = tpu.memref_slice %arg2[%mul3A_18, %dma_start3A] : memref<100000x128xf32, #tpu.memory_space<hbm>> -> memref<128x128xf32, #tpu.memory_space<hbm>>
      %dma_start3A_20 = arith.constant 0 : i32
      %dma_start3A_21 = tpu.memref_slice %arg2[%mul3A_18, %dma_start3A_20] : memref<100000x128xf32, #tpu.memory_space<hbm>> -> memref<128x128xf32, #tpu.memory_space<hbm>>
      tpu.enqueue_dma source(%dma_start3A_21 : memref<128x128xf32, #tpu.memory_space<hbm>>) target(%arg11 : memref<128x128xf32, #tpu.memory_space<vmem>>) target_semaphore(%arg18 : memref<!tpu.dma_semaphore, #tpu.memory_space<semaphore_mem>>)
      %dma_start3A_22 = arith.constant 0 : i32
      %dma_start3A_23 = arith.constant 0 : i32
      %dma_start3A_24 = tpu.memref_slice %arg13[%dma_start3A_22, %dma_start3A_23] : memref<2x128xi32, #tpu.memory_space<vmem>> -> memref<1x128xi32, #tpu.memory_space<vmem>>
      %dma_start3A_25 = tpu.memref_squeeze %dma_start3A_24 : memref<1x128xi32, #tpu.memory_space<vmem>> -> memref<128xi32, #tpu.memory_space<vmem>>
      %dma_start3A_26 = tpu.memref_slice %arg3[%mul3A_18] : memref<100000xi32, #tpu.memory_space<hbm>> -> memref<128xi32, #tpu.memory_space<hbm>>
      %dma_start3A_27 = arith.constant 0 : i32
      %dma_start3A_28 = tpu.memref_slice %arg13[%dma_start3A_22, %dma_start3A_27] : memref<2x128xi32, #tpu.memory_space<vmem>> -> memref<1x128xi32, #tpu.memory_space<vmem>>
      %dma_start3A_29 = tpu.memref_squeeze %dma_start3A_28 : memref<1x128xi32, #tpu.memory_space<vmem>> -> memref<128xi32, #tpu.memory_space<vmem>>
      %dma_start3A_30 = tpu.memref_slice %arg3[%mul3A_18] : memref<100000xi32, #tpu.memory_space<hbm>> -> memref<128xi32, #tpu.memory_space<hbm>>
      tpu.enqueue_dma source(%dma_start3A_30 : memref<128xi32, #tpu.memory_space<hbm>>) target(%dma_start3A_29 : memref<128xi32, #tpu.memory_space<vmem>>) target_semaphore(%arg20 : memref<!tpu.dma_semaphore, #tpu.memory_space<semaphore_mem>>)
    } else {
    }
    %barrier3A = arith.constant 0 : index
    tpu.barrier barrier_id(%barrier3A)
    %scan3A = arith.constant 0 : i32
    %scan3A_7 = arith.constant 13 : i32
    %scan3A_8 = arith.addi %scan3A, %scan3A_7 : i32
    %scan3A_9 = arith.constant 1 : i32
    scf.for %scan3A_17 = %scan3A to %scan3A_8 step %scan3A_9  : i32 {
      %mul3A_18 = arith.constant 2 : i32
      %mul3A_19 = arith.muli %mul3A_18, %scan3A_17 : i32
      %add3A_20 = arith.constant 0 : i32
      %add3A_21 = arith.addi %mul3A_19, %add3A_20 : i32
      %mul3A_22 = arith.constant 32 : i32
      %mul3A_23 = arith.muli %mul3A_22, %add3A_21 : i32
      %add3A_24 = arith.addi %add3A, %mul3A_23 : i32
      %add3A_25 = arith.constant 1 : i32
      %add3A_26 = arith.addi %add3A_21, %add3A_25 : i32
      %mul3A_27 = arith.constant 32 : i32
      %mul3A_28 = arith.muli %mul3A_27, %add3A_26 : i32
      %add3A_29 = arith.addi %add3A, %mul3A_28 : i32
      %lt3A_30 = arith.constant 781 : i32
      %lt3A_31 = arith.cmpi slt, %add3A_29, %lt3A_30 : i32
      %convert_element_type3A_32 = arith.extui %lt3A_31 : i1 to i32
      %cond3A_33 = arith.constant 0 : i32
      %cond3A_34 = arith.cmpi ne, %convert_element_type3A_32, %cond3A_33 : i32
      scf.if %cond3A_34 {
        %mul3A_70 = arith.constant 128 : i32
        %mul3A_71 = arith.muli %add3A_29, %mul3A_70 : i32
        %dma_start3A = arith.constant 0 : i32
        %dma_start3A_72 = tpu.memref_slice %arg2[%mul3A_71, %dma_start3A] : memref<100000x128xf32, #tpu.memory_space<hbm>> -> memref<128x128xf32, #tpu.memory_space<hbm>>
        %dma_start3A_73 = arith.constant 0 : i32
        %dma_start3A_74 = tpu.memref_slice %arg2[%mul3A_71, %dma_start3A_73] : memref<100000x128xf32, #tpu.memory_space<hbm>> -> memref<128x128xf32, #tpu.memory_space<hbm>>
        tpu.enqueue_dma source(%dma_start3A_74 : memref<128x128xf32, #tpu.memory_space<hbm>>) target(%arg12 : memref<128x128xf32, #tpu.memory_space<vmem>>) target_semaphore(%arg19 : memref<!tpu.dma_semaphore, #tpu.memory_space<semaphore_mem>>)
        %dma_start3A_75 = arith.constant 1 : i32
        %dma_start3A_76 = arith.constant 0 : i32
        %dma_start3A_77 = tpu.memref_slice %arg13[%dma_start3A_75, %dma_start3A_76] : memref<2x128xi32, #tpu.memory_space<vmem>> -> memref<1x128xi32, #tpu.memory_space<vmem>>
        %dma_start3A_78 = tpu.memref_squeeze %dma_start3A_77 : memref<1x128xi32, #tpu.memory_space<vmem>> -> memref<128xi32, #tpu.memory_space<vmem>>
        %dma_start3A_79 = tpu.memref_slice %arg3[%mul3A_71] : memref<100000xi32, #tpu.memory_space<hbm>> -> memref<128xi32, #tpu.memory_space<hbm>>
        %dma_start3A_80 = arith.constant 0 : i32
        %dma_start3A_81 = tpu.memref_slice %arg13[%dma_start3A_75, %dma_start3A_80] : memref<2x128xi32, #tpu.memory_space<vmem>> -> memref<1x128xi32, #tpu.memory_space<vmem>>
        %dma_start3A_82 = tpu.memref_squeeze %dma_start3A_81 : memref<1x128xi32, #tpu.memory_space<vmem>> -> memref<128xi32, #tpu.memory_space<vmem>>
        %dma_start3A_83 = tpu.memref_slice %arg3[%mul3A_71] : memref<100000xi32, #tpu.memory_space<hbm>> -> memref<128xi32, #tpu.memory_space<hbm>>
        tpu.enqueue_dma source(%dma_start3A_83 : memref<128xi32, #tpu.memory_space<hbm>>) target(%dma_start3A_82 : memref<128xi32, #tpu.memory_space<vmem>>) target_semaphore(%arg21 : memref<!tpu.dma_semaphore, #tpu.memory_space<semaphore_mem>>)
      } else {
      }
      %lt3A_35 = arith.constant 781 : i32
      %lt3A_36 = arith.cmpi slt, %add3A_24, %lt3A_35 : i32
      %convert_element_type3A_37 = arith.extui %lt3A_36 : i1 to i32
      %cond3A_38 = arith.constant 0 : i32
      %cond3A_39 = arith.cmpi ne, %convert_element_type3A_37, %cond3A_38 : i32
      scf.if %cond3A_39 {
        %mul3A_70 = arith.constant 128 : i32
        %mul3A_71 = arith.muli %add3A_24, %mul3A_70 : i32
        %dma_wait3A = arith.constant 0 : i32
        %dma_wait3A_72 = tpu.memref_slice %arg2[%mul3A_71, %dma_wait3A] : memref<100000x128xf32, #tpu.memory_space<hbm>> -> memref<128x128xf32, #tpu.memory_space<hbm>>
        %dma_wait3A_73 = arith.constant 0 : i32
        %dma_wait3A_74 = tpu.memref_slice %arg2[%mul3A_71, %dma_wait3A_73] : memref<100000x128xf32, #tpu.memory_space<hbm>> -> memref<128x128xf32, #tpu.memory_space<hbm>>
        tpu.wait_dma2 semaphore(%arg18 : memref<!tpu.dma_semaphore, #tpu.memory_space<semaphore_mem>>) src(%dma_wait3A_74 : memref<128x128xf32, #tpu.memory_space<hbm>>) dst(%arg11 : memref<128x128xf32, #tpu.memory_space<vmem>>)
        %dma_wait3A_75 = arith.constant 0 : i32
        %dma_wait3A_76 = arith.constant 0 : i32
        %dma_wait3A_77 = tpu.memref_slice %arg13[%dma_wait3A_75, %dma_wait3A_76] : memref<2x128xi32, #tpu.memory_space<vmem>> -> memref<1x128xi32, #tpu.memory_space<vmem>>
        %dma_wait3A_78 = tpu.memref_squeeze %dma_wait3A_77 : memref<1x128xi32, #tpu.memory_space<vmem>> -> memref<128xi32, #tpu.memory_space<vmem>>
        %dma_wait3A_79 = tpu.memref_slice %arg3[%mul3A_71] : memref<100000xi32, #tpu.memory_space<hbm>> -> memref<128xi32, #tpu.memory_space<hbm>>
        %dma_wait3A_80 = arith.constant 0 : i32
        %dma_wait3A_81 = tpu.memref_slice %arg13[%dma_wait3A_75, %dma_wait3A_80] : memref<2x128xi32, #tpu.memory_space<vmem>> -> memref<1x128xi32, #tpu.memory_space<vmem>>
        %dma_wait3A_82 = tpu.memref_squeeze %dma_wait3A_81 : memref<1x128xi32, #tpu.memory_space<vmem>> -> memref<128xi32, #tpu.memory_space<vmem>>
        %dma_wait3A_83 = tpu.memref_slice %arg3[%mul3A_71] : memref<100000xi32, #tpu.memory_space<hbm>> -> memref<128xi32, #tpu.memory_space<hbm>>
        tpu.wait_dma2 semaphore(%arg20 : memref<!tpu.dma_semaphore, #tpu.memory_space<semaphore_mem>>) src(%dma_wait3A_83 : memref<128xi32, #tpu.memory_space<hbm>>) dst(%dma_wait3A_82 : memref<128xi32, #tpu.memory_space<vmem>>)
        %run_scoped3A = arith.constant 0 : i32
        "tpu.region"() ({
          %run_scoped3A_85 = tpu.sem_alloc : memref<!tpu.dma_semaphore, #tpu.memory_space<semaphore_mem>>
          %dma_start3A = arith.constant 0 : i32
          %dma_start3A_86 = tpu.memref_slice %arg13[%run_scoped3A, %dma_start3A] : memref<2x128xi32, #tpu.memory_space<vmem>> -> memref<1x128xi32, #tpu.memory_space<vmem>>
          %dma_start3A_87 = tpu.memref_squeeze %dma_start3A_86 : memref<1x128xi32, #tpu.memory_space<vmem>> -> memref<128xi32, #tpu.memory_space<vmem>>
          %dma_start3A_88 = arith.constant 0 : i32
          %dma_start3A_89 = arith.constant 0 : i32
          %dma_start3A_90 = tpu.memref_slice %arg9[%dma_start3A_88, %dma_start3A_89] : memref<1024x128xf32, #tpu.memory_space<vmem_shared>> -> memref<1024x128xf32, #tpu.memory_space<vmem_shared>>
          tpu.enqueue_indirect_dma source(%arg11 : memref<128x128xf32, #tpu.memory_space<vmem>>) target(%dma_start3A_90 : memref<1024x128xf32, #tpu.memory_space<vmem_shared>>) offsets(%dma_start3A_87 : memref<128xi32, #tpu.memory_space<vmem>>) semaphore(%run_scoped3A_85 : memref<!tpu.dma_semaphore, #tpu.memory_space<semaphore_mem>>) {add = true}
          %dma_wait3A_91 = arith.constant 0 : i32
          %dma_wait3A_92 = tpu.memref_slice %arg13[%run_scoped3A, %dma_wait3A_91] : memref<2x128xi32, #tpu.memory_space<vmem>> -> memref<1x128xi32, #tpu.memory_space<vmem>>
          %dma_wait3A_93 = tpu.memref_squeeze %dma_wait3A_92 : memref<1x128xi32, #tpu.memory_space<vmem>> -> memref<128xi32, #tpu.memory_space<vmem>>
          %dma_wait3A_94 = arith.constant 0 : i32
          %dma_wait3A_95 = arith.constant 0 : i32
          %dma_wait3A_96 = tpu.memref_slice %arg9[%dma_wait3A_94, %dma_wait3A_95] : memref<1024x128xf32, #tpu.memory_space<vmem_shared>> -> memref<1024x128xf32, #tpu.memory_space<vmem_shared>>
          tpu.wait_indirect_dma semaphore(%run_scoped3A_85 : memref<!tpu.dma_semaphore, #tpu.memory_space<semaphore_mem>>) src(%arg11 : memref<128x128xf32, #tpu.memory_space<vmem>>) dst(%dma_wait3A_96 : memref<1024x128xf32, #tpu.memory_space<vmem_shared>>)
          tpu.yield
        }) : () -> ()
        %run_scoped3A_84 = arith.constant 0 : i32
        "tpu.region"() ({
          %run_scoped3A_85 = tpu.sem_alloc : memref<!tpu.dma_semaphore, #tpu.memory_space<semaphore_mem>>
          %dma_start3A = arith.constant 0 : i32
          %dma_start3A_86 = tpu.memref_slice %arg13[%run_scoped3A_84, %dma_start3A] : memref<2x128xi32, #tpu.memory_space<vmem>> -> memref<1x128xi32, #tpu.memory_space<vmem>>
          %dma_start3A_87 = tpu.memref_squeeze %dma_start3A_86 : memref<1x128xi32, #tpu.memory_space<vmem>> -> memref<128xi32, #tpu.memory_space<vmem>>
          %dma_start3A_88 = arith.constant 0 : i32
          %dma_start3A_89 = arith.constant 0 : i32
          %dma_start3A_90 = tpu.memref_slice %arg10[%dma_start3A_88, %dma_start3A_89] : memref<1024x128xf32, #tpu.memory_space<vmem_shared>> -> memref<1024x128xf32, #tpu.memory_space<vmem_shared>>
          tpu.enqueue_indirect_dma source(%arg14 : memref<128x128xf32, #tpu.memory_space<vmem>>) target(%dma_start3A_90 : memref<1024x128xf32, #tpu.memory_space<vmem_shared>>) offsets(%dma_start3A_87 : memref<128xi32, #tpu.memory_space<vmem>>) semaphore(%run_scoped3A_85 : memref<!tpu.dma_semaphore, #tpu.memory_space<semaphore_mem>>) {add = true}
          %dma_wait3A_91 = arith.constant 0 : i32
          %dma_wait3A_92 = tpu.memref_slice %arg13[%run_scoped3A_84, %dma_wait3A_91] : memref<2x128xi32, #tpu.memory_space<vmem>> -> memref<1x128xi32, #tpu.memory_space<vmem>>
          %dma_wait3A_93 = tpu.memref_squeeze %dma_wait3A_92 : memref<1x128xi32, #tpu.memory_space<vmem>> -> memref<128xi32, #tpu.memory_space<vmem>>
          %dma_wait3A_94 = arith.constant 0 : i32
          %dma_wait3A_95 = arith.constant 0 : i32
          %dma_wait3A_96 = tpu.memref_slice %arg10[%dma_wait3A_94, %dma_wait3A_95] : memref<1024x128xf32, #tpu.memory_space<vmem_shared>> -> memref<1024x128xf32, #tpu.memory_space<vmem_shared>>
          tpu.wait_indirect_dma semaphore(%run_scoped3A_85 : memref<!tpu.dma_semaphore, #tpu.memory_space<semaphore_mem>>) src(%arg14 : memref<128x128xf32, #tpu.memory_space<vmem>>) dst(%dma_wait3A_96 : memref<1024x128xf32, #tpu.memory_space<vmem_shared>>)
          tpu.yield
        }) : () -> ()
      } else {
      }
      %eq3A_40 = arith.constant 781 : i32
      %eq3A_41 = arith.cmpi eq, %add3A_24, %eq3A_40 : i32
      %convert_element_type3A_42 = arith.extui %eq3A_41 : i1 to i32
      %cond3A_43 = arith.constant 0 : i32
      %cond3A_44 = arith.cmpi ne, %convert_element_type3A_42, %cond3A_43 : i32
      scf.if %cond3A_44 {
        "tpu.region"() ({
          %run_scoped3A = tpu.sem_alloc : memref<!tpu.dma_semaphore, #tpu.memory_space<semaphore_mem>>
          %dma_start3A = arith.constant 99968 : i32
          %dma_start3A_70 = arith.constant 0 : i32
          %dma_start3A_71 = tpu.memref_slice %arg2[%dma_start3A, %dma_start3A_70] : memref<100000x128xf32, #tpu.memory_space<hbm>> -> memref<32x128xf32, #tpu.memory_space<hbm>>
          %dma_start3A_72 = arith.constant 99968 : i32
          %dma_start3A_73 = arith.constant 0 : i32
          %dma_start3A_74 = tpu.memref_slice %arg2[%dma_start3A_72, %dma_start3A_73] : memref<100000x128xf32, #tpu.memory_space<hbm>> -> memref<32x128xf32, #tpu.memory_space<hbm>>
          tpu.enqueue_dma source(%dma_start3A_74 : memref<32x128xf32, #tpu.memory_space<hbm>>) target(%arg15 : memref<32x128xf32, #tpu.memory_space<vmem>>) target_semaphore(%run_scoped3A : memref<!tpu.dma_semaphore, #tpu.memory_space<semaphore_mem>>)
          %dma_wait3A = arith.constant 99968 : i32
          %dma_wait3A_75 = arith.constant 0 : i32
          %dma_wait3A_76 = tpu.memref_slice %arg2[%dma_wait3A, %dma_wait3A_75] : memref<100000x128xf32, #tpu.memory_space<hbm>> -> memref<32x128xf32, #tpu.memory_space<hbm>>
          %dma_wait3A_77 = arith.constant 99968 : i32
          %dma_wait3A_78 = arith.constant 0 : i32
          %dma_wait3A_79 = tpu.memref_slice %arg2[%dma_wait3A_77, %dma_wait3A_78] : memref<100000x128xf32, #tpu.memory_space<hbm>> -> memref<32x128xf32, #tpu.memory_space<hbm>>
          tpu.wait_dma2 semaphore(%run_scoped3A : memref<!tpu.dma_semaphore, #tpu.memory_space<semaphore_mem>>) src(%dma_wait3A_79 : memref<32x128xf32, #tpu.memory_space<hbm>>) dst(%arg15 : memref<32x128xf32, #tpu.memory_space<vmem>>)
          tpu.yield
        }) : () -> ()
        "tpu.region"() ({
          %run_scoped3A = tpu.sem_alloc : memref<!tpu.dma_semaphore, #tpu.memory_space<semaphore_mem>>
          %dma_start3A = arith.constant 99968 : i32
          %dma_start3A_70 = tpu.memref_slice %arg3[%dma_start3A] : memref<100000xi32, #tpu.memory_space<hbm>> -> memref<32xi32, #tpu.memory_space<hbm>>
          %dma_start3A_71 = arith.constant 99968 : i32
          %dma_start3A_72 = tpu.memref_slice %arg3[%dma_start3A_71] : memref<100000xi32, #tpu.memory_space<hbm>> -> memref<32xi32, #tpu.memory_space<hbm>>
          tpu.enqueue_dma source(%dma_start3A_72 : memref<32xi32, #tpu.memory_space<hbm>>) target(%arg16 : memref<32xi32, #tpu.memory_space<vmem>>) target_semaphore(%run_scoped3A : memref<!tpu.dma_semaphore, #tpu.memory_space<semaphore_mem>>)
          %dma_wait3A = arith.constant 99968 : i32
          %dma_wait3A_73 = tpu.memref_slice %arg3[%dma_wait3A] : memref<100000xi32, #tpu.memory_space<hbm>> -> memref<32xi32, #tpu.memory_space<hbm>>
          %dma_wait3A_74 = arith.constant 99968 : i32
          %dma_wait3A_75 = tpu.memref_slice %arg3[%dma_wait3A_74] : memref<100000xi32, #tpu.memory_space<hbm>> -> memref<32xi32, #tpu.memory_space<hbm>>
          tpu.wait_dma2 semaphore(%run_scoped3A : memref<!tpu.dma_semaphore, #tpu.memory_space<semaphore_mem>>) src(%dma_wait3A_75 : memref<32xi32, #tpu.memory_space<hbm>>) dst(%arg16 : memref<32xi32, #tpu.memory_space<vmem>>)
          tpu.yield
        }) : () -> ()
        "tpu.region"() ({
          %run_scoped3A = tpu.sem_alloc : memref<!tpu.dma_semaphore, #tpu.memory_space<semaphore_mem>>
          %dma_start3A = arith.constant 0 : i32
          %dma_start3A_70 = arith.constant 0 : i32
          %dma_start3A_71 = tpu.memref_slice %arg9[%dma_start3A, %dma_start3A_70] : memref<1024x128xf32, #tpu.memory_space<vmem_shared>> -> memref<1024x128xf32, #tpu.memory_space<vmem_shared>>
          tpu.enqueue_indirect_dma source(%arg15 : memref<32x128xf32, #tpu.memory_space<vmem>>) target(%dma_start3A_71 : memref<1024x128xf32, #tpu.memory_space<vmem_shared>>) offsets(%arg16 : memref<32xi32, #tpu.memory_space<vmem>>) semaphore(%run_scoped3A : memref<!tpu.dma_semaphore, #tpu.memory_space<semaphore_mem>>) {add = true}
          %dma_wait3A = arith.constant 0 : i32
          %dma_wait3A_72 = arith.constant 0 : i32
          %dma_wait3A_73 = tpu.memref_slice %arg9[%dma_wait3A, %dma_wait3A_72] : memref<1024x128xf32, #tpu.memory_space<vmem_shared>> -> memref<1024x128xf32, #tpu.memory_space<vmem_shared>>
          tpu.wait_indirect_dma semaphore(%run_scoped3A : memref<!tpu.dma_semaphore, #tpu.memory_space<semaphore_mem>>) src(%arg15 : memref<32x128xf32, #tpu.memory_space<vmem>>) dst(%dma_wait3A_73 : memref<1024x128xf32, #tpu.memory_space<vmem_shared>>)
          tpu.yield
        }) : () -> ()
        "tpu.region"() ({
          %run_scoped3A = tpu.sem_alloc : memref<!tpu.dma_semaphore, #tpu.memory_space<semaphore_mem>>
          %dma_start3A = arith.constant 0 : i32
          %dma_start3A_70 = arith.constant 0 : i32
          %dma_start3A_71 = tpu.memref_slice %arg10[%dma_start3A, %dma_start3A_70] : memref<1024x128xf32, #tpu.memory_space<vmem_shared>> -> memref<1024x128xf32, #tpu.memory_space<vmem_shared>>
          tpu.enqueue_indirect_dma source(%arg17 : memref<32x128xf32, #tpu.memory_space<vmem>>) target(%dma_start3A_71 : memref<1024x128xf32, #tpu.memory_space<vmem_shared>>) offsets(%arg16 : memref<32xi32, #tpu.memory_space<vmem>>) semaphore(%run_scoped3A : memref<!tpu.dma_semaphore, #tpu.memory_space<semaphore_mem>>) {add = true}
          %dma_wait3A = arith.constant 0 : i32
          %dma_wait3A_72 = arith.constant 0 : i32
          %dma_wait3A_73 = tpu.memref_slice %arg10[%dma_wait3A, %dma_wait3A_72] : memref<1024x128xf32, #tpu.memory_space<vmem_shared>> -> memref<1024x128xf32, #tpu.memory_space<vmem_shared>>
          tpu.wait_indirect_dma semaphore(%run_scoped3A : memref<!tpu.dma_semaphore, #tpu.memory_space<semaphore_mem>>) src(%arg17 : memref<32x128xf32, #tpu.memory_space<vmem>>) dst(%dma_wait3A_73 : memref<1024x128xf32, #tpu.memory_space<vmem_shared>>)
          tpu.yield
        }) : () -> ()
      } else {
      }
      %add3A_45 = arith.constant 1 : i32
      %add3A_46 = arith.addi %mul3A_19, %add3A_45 : i32
      %mul3A_47 = arith.constant 32 : i32
      %mul3A_48 = arith.muli %mul3A_47, %add3A_46 : i32
      %add3A_49 = arith.addi %add3A, %mul3A_48 : i32
      %add3A_50 = arith.constant 1 : i32
      %add3A_51 = arith.addi %add3A_46, %add3A_50 : i32
      %mul3A_52 = arith.constant 32 : i32
      %mul3A_53 = arith.muli %mul3A_52, %add3A_51 : i32
      %add3A_54 = arith.addi %add3A, %mul3A_53 : i32
      %lt3A_55 = arith.constant 781 : i32
      %lt3A_56 = arith.cmpi slt, %add3A_54, %lt3A_55 : i32
      %convert_element_type3A_57 = arith.extui %lt3A_56 : i1 to i32
      %cond3A_58 = arith.constant 0 : i32
      %cond3A_59 = arith.cmpi ne, %convert_element_type3A_57, %cond3A_58 : i32
      scf.if %cond3A_59 {
        %mul3A_70 = arith.constant 128 : i32
        %mul3A_71 = arith.muli %add3A_54, %mul3A_70 : i32
        %dma_start3A = arith.constant 0 : i32
        %dma_start3A_72 = tpu.memref_slice %arg2[%mul3A_71, %dma_start3A] : memref<100000x128xf32, #tpu.memory_space<hbm>> -> memref<128x128xf32, #tpu.memory_space<hbm>>
        %dma_start3A_73 = arith.constant 0 : i32
        %dma_start3A_74 = tpu.memref_slice %arg2[%mul3A_71, %dma_start3A_73] : memref<100000x128xf32, #tpu.memory_space<hbm>> -> memref<128x128xf32, #tpu.memory_space<hbm>>
        tpu.enqueue_dma source(%dma_start3A_74 : memref<128x128xf32, #tpu.memory_space<hbm>>) target(%arg11 : memref<128x128xf32, #tpu.memory_space<vmem>>) target_semaphore(%arg18 : memref<!tpu.dma_semaphore, #tpu.memory_space<semaphore_mem>>)
        %dma_start3A_75 = arith.constant 0 : i32
        %dma_start3A_76 = arith.constant 0 : i32
        %dma_start3A_77 = tpu.memref_slice %arg13[%dma_start3A_75, %dma_start3A_76] : memref<2x128xi32, #tpu.memory_space<vmem>> -> memref<1x128xi32, #tpu.memory_space<vmem>>
        %dma_start3A_78 = tpu.memref_squeeze %dma_start3A_77 : memref<1x128xi32, #tpu.memory_space<vmem>> -> memref<128xi32, #tpu.memory_space<vmem>>
        %dma_start3A_79 = tpu.memref_slice %arg3[%mul3A_71] : memref<100000xi32, #tpu.memory_space<hbm>> -> memref<128xi32, #tpu.memory_space<hbm>>
        %dma_start3A_80 = arith.constant 0 : i32
        %dma_start3A_81 = tpu.memref_slice %arg13[%dma_start3A_75, %dma_start3A_80] : memref<2x128xi32, #tpu.memory_space<vmem>> -> memref<1x128xi32, #tpu.memory_space<vmem>>
        %dma_start3A_82 = tpu.memref_squeeze %dma_start3A_81 : memref<1x128xi32, #tpu.memory_space<vmem>> -> memref<128xi32, #tpu.memory_space<vmem>>
        %dma_start3A_83 = tpu.memref_slice %arg3[%mul3A_71] : memref<100000xi32, #tpu.memory_space<hbm>> -> memref<128xi32, #tpu.memory_space<hbm>>
        tpu.enqueue_dma source(%dma_start3A_83 : memref<128xi32, #tpu.memory_space<hbm>>) target(%dma_start3A_82 : memref<128xi32, #tpu.memory_space<vmem>>) target_semaphore(%arg20 : memref<!tpu.dma_semaphore, #tpu.memory_space<semaphore_mem>>)
      } else {
      }
      %lt3A_60 = arith.constant 781 : i32
      %lt3A_61 = arith.cmpi slt, %add3A_49, %lt3A_60 : i32
      %convert_element_type3A_62 = arith.extui %lt3A_61 : i1 to i32
      %cond3A_63 = arith.constant 0 : i32
      %cond3A_64 = arith.cmpi ne, %convert_element_type3A_62, %cond3A_63 : i32
      scf.if %cond3A_64 {
        %mul3A_70 = arith.constant 128 : i32
        %mul3A_71 = arith.muli %add3A_49, %mul3A_70 : i32
        %dma_wait3A = arith.constant 0 : i32
        %dma_wait3A_72 = tpu.memref_slice %arg2[%mul3A_71, %dma_wait3A] : memref<100000x128xf32, #tpu.memory_space<hbm>> -> memref<128x128xf32, #tpu.memory_space<hbm>>
        %dma_wait3A_73 = arith.constant 0 : i32
        %dma_wait3A_74 = tpu.memref_slice %arg2[%mul3A_71, %dma_wait3A_73] : memref<100000x128xf32, #tpu.memory_space<hbm>> -> memref<128x128xf32, #tpu.memory_space<hbm>>
        tpu.wait_dma2 semaphore(%arg19 : memref<!tpu.dma_semaphore, #tpu.memory_space<semaphore_mem>>) src(%dma_wait3A_74 : memref<128x128xf32, #tpu.memory_space<hbm>>) dst(%arg12 : memref<128x128xf32, #tpu.memory_space<vmem>>)
        %dma_wait3A_75 = arith.constant 1 : i32
        %dma_wait3A_76 = arith.constant 0 : i32
        %dma_wait3A_77 = tpu.memref_slice %arg13[%dma_wait3A_75, %dma_wait3A_76] : memref<2x128xi32, #tpu.memory_space<vmem>> -> memref<1x128xi32, #tpu.memory_space<vmem>>
        %dma_wait3A_78 = tpu.memref_squeeze %dma_wait3A_77 : memref<1x128xi32, #tpu.memory_space<vmem>> -> memref<128xi32, #tpu.memory_space<vmem>>
        %dma_wait3A_79 = tpu.memref_slice %arg3[%mul3A_71] : memref<100000xi32, #tpu.memory_space<hbm>> -> memref<128xi32, #tpu.memory_space<hbm>>
        %dma_wait3A_80 = arith.constant 0 : i32
        %dma_wait3A_81 = tpu.memref_slice %arg13[%dma_wait3A_75, %dma_wait3A_80] : memref<2x128xi32, #tpu.memory_space<vmem>> -> memref<1x128xi32, #tpu.memory_space<vmem>>
        %dma_wait3A_82 = tpu.memref_squeeze %dma_wait3A_81 : memref<1x128xi32, #tpu.memory_space<vmem>> -> memref<128xi32, #tpu.memory_space<vmem>>
        %dma_wait3A_83 = tpu.memref_slice %arg3[%mul3A_71] : memref<100000xi32, #tpu.memory_space<hbm>> -> memref<128xi32, #tpu.memory_space<hbm>>
        tpu.wait_dma2 semaphore(%arg21 : memref<!tpu.dma_semaphore, #tpu.memory_space<semaphore_mem>>) src(%dma_wait3A_83 : memref<128xi32, #tpu.memory_space<hbm>>) dst(%dma_wait3A_82 : memref<128xi32, #tpu.memory_space<vmem>>)
        %run_scoped3A = arith.constant 1 : i32
        "tpu.region"() ({
          %run_scoped3A_85 = tpu.sem_alloc : memref<!tpu.dma_semaphore, #tpu.memory_space<semaphore_mem>>
          %dma_start3A = arith.constant 0 : i32
          %dma_start3A_86 = tpu.memref_slice %arg13[%run_scoped3A, %dma_start3A] : memref<2x128xi32, #tpu.memory_space<vmem>> -> memref<1x128xi32, #tpu.memory_space<vmem>>
          %dma_start3A_87 = tpu.memref_squeeze %dma_start3A_86 : memref<1x128xi32, #tpu.memory_space<vmem>> -> memref<128xi32, #tpu.memory_space<vmem>>
          %dma_start3A_88 = arith.constant 0 : i32
          %dma_start3A_89 = arith.constant 0 : i32
          %dma_start3A_90 = tpu.memref_slice %arg9[%dma_start3A_88, %dma_start3A_89] : memref<1024x128xf32, #tpu.memory_space<vmem_shared>> -> memref<1024x128xf32, #tpu.memory_space<vmem_shared>>
          tpu.enqueue_indirect_dma source(%arg12 : memref<128x128xf32, #tpu.memory_space<vmem>>) target(%dma_start3A_90 : memref<1024x128xf32, #tpu.memory_space<vmem_shared>>) offsets(%dma_start3A_87 : memref<128xi32, #tpu.memory_space<vmem>>) semaphore(%run_scoped3A_85 : memref<!tpu.dma_semaphore, #tpu.memory_space<semaphore_mem>>) {add = true}
          %dma_wait3A_91 = arith.constant 0 : i32
          %dma_wait3A_92 = tpu.memref_slice %arg13[%run_scoped3A, %dma_wait3A_91] : memref<2x128xi32, #tpu.memory_space<vmem>> -> memref<1x128xi32, #tpu.memory_space<vmem>>
          %dma_wait3A_93 = tpu.memref_squeeze %dma_wait3A_92 : memref<1x128xi32, #tpu.memory_space<vmem>> -> memref<128xi32, #tpu.memory_space<vmem>>
          %dma_wait3A_94 = arith.constant 0 : i32
          %dma_wait3A_95 = arith.constant 0 : i32
          %dma_wait3A_96 = tpu.memref_slice %arg9[%dma_wait3A_94, %dma_wait3A_95] : memref<1024x128xf32, #tpu.memory_space<vmem_shared>> -> memref<1024x128xf32, #tpu.memory_space<vmem_shared>>
          tpu.wait_indirect_dma semaphore(%run_scoped3A_85 : memref<!tpu.dma_semaphore, #tpu.memory_space<semaphore_mem>>) src(%arg12 : memref<128x128xf32, #tpu.memory_space<vmem>>) dst(%dma_wait3A_96 : memref<1024x128xf32, #tpu.memory_space<vmem_shared>>)
          tpu.yield
        }) : () -> ()
        %run_scoped3A_84 = arith.constant 1 : i32
        "tpu.region"() ({
          %run_scoped3A_85 = tpu.sem_alloc : memref<!tpu.dma_semaphore, #tpu.memory_space<semaphore_mem>>
          %dma_start3A = arith.constant 0 : i32
          %dma_start3A_86 = tpu.memref_slice %arg13[%run_scoped3A_84, %dma_start3A] : memref<2x128xi32, #tpu.memory_space<vmem>> -> memref<1x128xi32, #tpu.memory_space<vmem>>
          %dma_start3A_87 = tpu.memref_squeeze %dma_start3A_86 : memref<1x128xi32, #tpu.memory_space<vmem>> -> memref<128xi32, #tpu.memory_space<vmem>>
          %dma_start3A_88 = arith.constant 0 : i32
          %dma_start3A_89 = arith.constant 0 : i32
          %dma_start3A_90 = tpu.memref_slice %arg10[%dma_start3A_88, %dma_start3A_89] : memref<1024x128xf32, #tpu.memory_space<vmem_shared>> -> memref<1024x128xf32, #tpu.memory_space<vmem_shared>>
          tpu.enqueue_indirect_dma source(%arg14 : memref<128x128xf32, #tpu.memory_space<vmem>>) target(%dma_start3A_90 : memref<1024x128xf32, #tpu.memory_space<vmem_shared>>) offsets(%dma_start3A_87 : memref<128xi32, #tpu.memory_space<vmem>>) semaphore(%run_scoped3A_85 : memref<!tpu.dma_semaphore, #tpu.memory_space<semaphore_mem>>) {add = true}
          %dma_wait3A_91 = arith.constant 0 : i32
          %dma_wait3A_92 = tpu.memref_slice %arg13[%run_scoped3A_84, %dma_wait3A_91] : memref<2x128xi32, #tpu.memory_space<vmem>> -> memref<1x128xi32, #tpu.memory_space<vmem>>
          %dma_wait3A_93 = tpu.memref_squeeze %dma_wait3A_92 : memref<1x128xi32, #tpu.memory_space<vmem>> -> memref<128xi32, #tpu.memory_space<vmem>>
          %dma_wait3A_94 = arith.constant 0 : i32
          %dma_wait3A_95 = arith.constant 0 : i32
          %dma_wait3A_96 = tpu.memref_slice %arg10[%dma_wait3A_94, %dma_wait3A_95] : memref<1024x128xf32, #tpu.memory_space<vmem_shared>> -> memref<1024x128xf32, #tpu.memory_space<vmem_shared>>
          tpu.wait_indirect_dma semaphore(%run_scoped3A_85 : memref<!tpu.dma_semaphore, #tpu.memory_space<semaphore_mem>>) src(%arg14 : memref<128x128xf32, #tpu.memory_space<vmem>>) dst(%dma_wait3A_96 : memref<1024x128xf32, #tpu.memory_space<vmem_shared>>)
          tpu.yield
        }) : () -> ()
      } else {
      }
      %eq3A_65 = arith.constant 781 : i32
      %eq3A_66 = arith.cmpi eq, %add3A_49, %eq3A_65 : i32
      %convert_element_type3A_67 = arith.extui %eq3A_66 : i1 to i32
      %cond3A_68 = arith.constant 0 : i32
      %cond3A_69 = arith.cmpi ne, %convert_element_type3A_67, %cond3A_68 : i32
      scf.if %cond3A_69 {
        "tpu.region"() ({
          %run_scoped3A = tpu.sem_alloc : memref<!tpu.dma_semaphore, #tpu.memory_space<semaphore_mem>>
          %dma_start3A = arith.constant 99968 : i32
          %dma_start3A_70 = arith.constant 0 : i32
          %dma_start3A_71 = tpu.memref_slice %arg2[%dma_start3A, %dma_start3A_70] : memref<100000x128xf32, #tpu.memory_space<hbm>> -> memref<32x128xf32, #tpu.memory_space<hbm>>
          %dma_start3A_72 = arith.constant 99968 : i32
          %dma_start3A_73 = arith.constant 0 : i32
          %dma_start3A_74 = tpu.memref_slice %arg2[%dma_start3A_72, %dma_start3A_73] : memref<100000x128xf32, #tpu.memory_space<hbm>> -> memref<32x128xf32, #tpu.memory_space<hbm>>
          tpu.enqueue_dma source(%dma_start3A_74 : memref<32x128xf32, #tpu.memory_space<hbm>>) target(%arg15 : memref<32x128xf32, #tpu.memory_space<vmem>>) target_semaphore(%run_scoped3A : memref<!tpu.dma_semaphore, #tpu.memory_space<semaphore_mem>>)
          %dma_wait3A = arith.constant 99968 : i32
          %dma_wait3A_75 = arith.constant 0 : i32
          %dma_wait3A_76 = tpu.memref_slice %arg2[%dma_wait3A, %dma_wait3A_75] : memref<100000x128xf32, #tpu.memory_space<hbm>> -> memref<32x128xf32, #tpu.memory_space<hbm>>
          %dma_wait3A_77 = arith.constant 99968 : i32
          %dma_wait3A_78 = arith.constant 0 : i32
          %dma_wait3A_79 = tpu.memref_slice %arg2[%dma_wait3A_77, %dma_wait3A_78] : memref<100000x128xf32, #tpu.memory_space<hbm>> -> memref<32x128xf32, #tpu.memory_space<hbm>>
          tpu.wait_dma2 semaphore(%run_scoped3A : memref<!tpu.dma_semaphore, #tpu.memory_space<semaphore_mem>>) src(%dma_wait3A_79 : memref<32x128xf32, #tpu.memory_space<hbm>>) dst(%arg15 : memref<32x128xf32, #tpu.memory_space<vmem>>)
          tpu.yield
        }) : () -> ()
        "tpu.region"() ({
          %run_scoped3A = tpu.sem_alloc : memref<!tpu.dma_semaphore, #tpu.memory_space<semaphore_mem>>
          %dma_start3A = arith.constant 99968 : i32
          %dma_start3A_70 = tpu.memref_slice %arg3[%dma_start3A] : memref<100000xi32, #tpu.memory_space<hbm>> -> memref<32xi32, #tpu.memory_space<hbm>>
          %dma_start3A_71 = arith.constant 99968 : i32
          %dma_start3A_72 = tpu.memref_slice %arg3[%dma_start3A_71] : memref<100000xi32, #tpu.memory_space<hbm>> -> memref<32xi32, #tpu.memory_space<hbm>>
          tpu.enqueue_dma source(%dma_start3A_72 : memref<32xi32, #tpu.memory_space<hbm>>) target(%arg16 : memref<32xi32, #tpu.memory_space<vmem>>) target_semaphore(%run_scoped3A : memref<!tpu.dma_semaphore, #tpu.memory_space<semaphore_mem>>)
          %dma_wait3A = arith.constant 99968 : i32
          %dma_wait3A_73 = tpu.memref_slice %arg3[%dma_wait3A] : memref<100000xi32, #tpu.memory_space<hbm>> -> memref<32xi32, #tpu.memory_space<hbm>>
          %dma_wait3A_74 = arith.constant 99968 : i32
          %dma_wait3A_75 = tpu.memref_slice %arg3[%dma_wait3A_74] : memref<100000xi32, #tpu.memory_space<hbm>> -> memref<32xi32, #tpu.memory_space<hbm>>
          tpu.wait_dma2 semaphore(%run_scoped3A : memref<!tpu.dma_semaphore, #tpu.memory_space<semaphore_mem>>) src(%dma_wait3A_75 : memref<32xi32, #tpu.memory_space<hbm>>) dst(%arg16 : memref<32xi32, #tpu.memory_space<vmem>>)
          tpu.yield
        }) : () -> ()
        "tpu.region"() ({
          %run_scoped3A = tpu.sem_alloc : memref<!tpu.dma_semaphore, #tpu.memory_space<semaphore_mem>>
          %dma_start3A = arith.constant 0 : i32
          %dma_start3A_70 = arith.constant 0 : i32
          %dma_start3A_71 = tpu.memref_slice %arg9[%dma_start3A, %dma_start3A_70] : memref<1024x128xf32, #tpu.memory_space<vmem_shared>> -> memref<1024x128xf32, #tpu.memory_space<vmem_shared>>
          tpu.enqueue_indirect_dma source(%arg15 : memref<32x128xf32, #tpu.memory_space<vmem>>) target(%dma_start3A_71 : memref<1024x128xf32, #tpu.memory_space<vmem_shared>>) offsets(%arg16 : memref<32xi32, #tpu.memory_space<vmem>>) semaphore(%run_scoped3A : memref<!tpu.dma_semaphore, #tpu.memory_space<semaphore_mem>>) {add = true}
          %dma_wait3A = arith.constant 0 : i32
          %dma_wait3A_72 = arith.constant 0 : i32
          %dma_wait3A_73 = tpu.memref_slice %arg9[%dma_wait3A, %dma_wait3A_72] : memref<1024x128xf32, #tpu.memory_space<vmem_shared>> -> memref<1024x128xf32, #tpu.memory_space<vmem_shared>>
          tpu.wait_indirect_dma semaphore(%run_scoped3A : memref<!tpu.dma_semaphore, #tpu.memory_space<semaphore_mem>>) src(%arg15 : memref<32x128xf32, #tpu.memory_space<vmem>>) dst(%dma_wait3A_73 : memref<1024x128xf32, #tpu.memory_space<vmem_shared>>)
          tpu.yield
        }) : () -> ()
        "tpu.region"() ({
          %run_scoped3A = tpu.sem_alloc : memref<!tpu.dma_semaphore, #tpu.memory_space<semaphore_mem>>
          %dma_start3A = arith.constant 0 : i32
          %dma_start3A_70 = arith.constant 0 : i32
          %dma_start3A_71 = tpu.memref_slice %arg10[%dma_start3A, %dma_start3A_70] : memref<1024x128xf32, #tpu.memory_space<vmem_shared>> -> memref<1024x128xf32, #tpu.memory_space<vmem_shared>>
          tpu.enqueue_indirect_dma source(%arg17 : memref<32x128xf32, #tpu.memory_space<vmem>>) target(%dma_start3A_71 : memref<1024x128xf32, #tpu.memory_space<vmem_shared>>) offsets(%arg16 : memref<32xi32, #tpu.memory_space<vmem>>) semaphore(%run_scoped3A : memref<!tpu.dma_semaphore, #tpu.memory_space<semaphore_mem>>) {add = true}
          %dma_wait3A = arith.constant 0 : i32
          %dma_wait3A_72 = arith.constant 0 : i32
          %dma_wait3A_73 = tpu.memref_slice %arg10[%dma_wait3A, %dma_wait3A_72] : memref<1024x128xf32, #tpu.memory_space<vmem_shared>> -> memref<1024x128xf32, #tpu.memory_space<vmem_shared>>
          tpu.wait_indirect_dma semaphore(%run_scoped3A : memref<!tpu.dma_semaphore, #tpu.memory_space<semaphore_mem>>) src(%arg17 : memref<32x128xf32, #tpu.memory_space<vmem>>) dst(%dma_wait3A_73 : memref<1024x128xf32, #tpu.memory_space<vmem_shared>>)
          tpu.yield
        }) : () -> ()
      } else {
      }
    }
    %scan3A_10 = arith.constant 13 : i32
    %barrier3A_11 = arith.constant 0 : index
    tpu.barrier barrier_id(%barrier3A_11)
    %eq3A_12 = arith.constant 0 : i32
    %eq3A_13 = arith.cmpi eq, %arg1, %eq3A_12 : i32
    %convert_element_type3A_14 = arith.extui %eq3A_13 : i1 to i32
    %cond3A_15 = arith.constant 0 : i32
    %cond3A_16 = arith.cmpi ne, %convert_element_type3A_14, %cond3A_15 : i32
    scf.if %cond3A_16 {
      "tpu.region"() ({
        %run_scoped3A = tpu.sem_alloc : memref<!tpu.dma_semaphore, #tpu.memory_space<semaphore_mem>>
        %dma_start3A = arith.constant 0 : i32
        %dma_start3A_17 = arith.constant 0 : i32
        %dma_start3A_18 = tpu.memref_slice %arg7[%arg0, %dma_start3A, %dma_start3A_17] : memref<2x1024x128xf32, #tpu.memory_space<hbm>> -> memref<1x1024x128xf32, #tpu.memory_space<hbm>>
        %dma_start3A_19 = tpu.memref_squeeze %dma_start3A_18 : memref<1x1024x128xf32, #tpu.memory_space<hbm>> -> memref<1024x128xf32, #tpu.memory_space<hbm>>
        tpu.enqueue_dma source(%arg9 : memref<1024x128xf32, #tpu.memory_space<vmem_shared>>) target(%dma_start3A_19 : memref<1024x128xf32, #tpu.memory_space<hbm>>) target_semaphore(%run_scoped3A : memref<!tpu.dma_semaphore, #tpu.memory_space<semaphore_mem>>)
        %dma_wait3A = arith.constant 0 : i32
        %dma_wait3A_20 = arith.constant 0 : i32
        %dma_wait3A_21 = tpu.memref_slice %arg7[%arg0, %dma_wait3A, %dma_wait3A_20] : memref<2x1024x128xf32, #tpu.memory_space<hbm>> -> memref<1x1024x128xf32, #tpu.memory_space<hbm>>
        %dma_wait3A_22 = tpu.memref_squeeze %dma_wait3A_21 : memref<1x1024x128xf32, #tpu.memory_space<hbm>> -> memref<1024x128xf32, #tpu.memory_space<hbm>>
        tpu.wait_dma2 semaphore(%run_scoped3A : memref<!tpu.dma_semaphore, #tpu.memory_space<semaphore_mem>>) src(%arg9 : memref<1024x128xf32, #tpu.memory_space<vmem_shared>>) dst(%dma_wait3A_22 : memref<1024x128xf32, #tpu.memory_space<hbm>>)
        tpu.yield
      }) : () -> ()
      "tpu.region"() ({
        %run_scoped3A = tpu.sem_alloc : memref<!tpu.dma_semaphore, #tpu.memory_space<semaphore_mem>>
        %dma_start3A = arith.constant 0 : i32
        %dma_start3A_17 = arith.constant 0 : i32
        %dma_start3A_18 = tpu.memref_slice %arg8[%arg0, %dma_start3A, %dma_start3A_17] : memref<2x1024x128xf32, #tpu.memory_space<hbm>> -> memref<1x1024x128xf32, #tpu.memory_space<hbm>>
        %dma_start3A_19 = tpu.memref_squeeze %dma_start3A_18 : memref<1x1024x128xf32, #tpu.memory_space<hbm>> -> memref<1024x128xf32, #tpu.memory_space<hbm>>
        tpu.enqueue_dma source(%arg10 : memref<1024x128xf32, #tpu.memory_space<vmem_shared>>) target(%dma_start3A_19 : memref<1024x128xf32, #tpu.memory_space<hbm>>) target_semaphore(%run_scoped3A : memref<!tpu.dma_semaphore, #tpu.memory_space<semaphore_mem>>)
        %dma_wait3A = arith.constant 0 : i32
        %dma_wait3A_20 = arith.constant 0 : i32
        %dma_wait3A_21 = tpu.memref_slice %arg8[%arg0, %dma_wait3A, %dma_wait3A_20] : memref<2x1024x128xf32, #tpu.memory_space<hbm>> -> memref<1x1024x128xf32, #tpu.memory_space<hbm>>
        %dma_wait3A_22 = tpu.memref_squeeze %dma_wait3A_21 : memref<1x1024x128xf32, #tpu.memory_space<hbm>> -> memref<1024x128xf32, #tpu.memory_space<hbm>>
        tpu.wait_dma2 semaphore(%run_scoped3A : memref<!tpu.dma_semaphore, #tpu.memory_space<semaphore_mem>>) src(%arg10 : memref<1024x128xf32, #tpu.memory_space<vmem_shared>>) dst(%dma_wait3A_22 : memref<1024x128xf32, #tpu.memory_space<hbm>>)
        tpu.yield
      }) : () -> ()
    } else {
    }
    return
  }
}

module attributes {stable_mosaic.version = 14 : i64} {
  func.func @_dense_body(%arg0: memref<1x1xf32, #tpu.memory_space<vmem>>, %arg1: memref<2x1024x128xf32, #tpu.memory_space<vmem>>, %arg2: memref<2x1024x128xf32, #tpu.memory_space<vmem>>, %arg3: memref<1024x256xf32, #tpu.memory_space<vmem>>, %arg4: memref<1024x256xf32, #tpu.memory_space<vmem>>, %arg5: memref<128x256xf32, #tpu.memory_space<vmem>>, %arg6: memref<1x128xf32, #tpu.memory_space<vmem>>, %arg7: memref<768x256xf32, #tpu.memory_space<vmem>>, %arg8: memref<768x256xf32, #tpu.memory_space<vmem>>, %arg9: memref<1x768xf32, #tpu.memory_space<vmem>>, %arg10: memref<1x768xf32, #tpu.memory_space<vmem>>, %arg11: memref<1024x256xf32, #tpu.memory_space<vmem>>) attributes {dimension_semantics = [], scalar_prefetch = 0 : i64, scratch_operands = 0 : i64, tpu.core_type = #tpu.core_type<tc>} {
    %get3A = arith.constant 0 : index
    %get3A_0 = arith.constant 0 : index
    %get3A_1 = arith.constant 0 : index
    %get3A_2 = vector.load %arg1[%get3A, %get3A_0, %get3A_1] : memref<2x1024x128xf32, #tpu.memory_space<vmem>>, vector<1x1024x128xf32>
    %get3A_3 = vector.shape_cast %get3A_2 : vector<1x1024x128xf32> to vector<1024x128xf32>
    %get3A_4 = arith.constant 1 : index
    %get3A_5 = arith.constant 0 : index
    %get3A_6 = arith.constant 0 : index
    %get3A_7 = vector.load %arg1[%get3A_4, %get3A_5, %get3A_6] : memref<2x1024x128xf32, #tpu.memory_space<vmem>>, vector<1x1024x128xf32>
    %get3A_8 = vector.shape_cast %get3A_7 : vector<1x1024x128xf32> to vector<1024x128xf32>
    %add3A = arith.addf %get3A_3, %get3A_8 : vector<1024x128xf32>
    %get3A_9 = arith.constant 0 : index
    %get3A_10 = arith.constant 0 : index
    %get3A_11 = arith.constant 0 : index
    %get3A_12 = vector.load %arg2[%get3A_9, %get3A_10, %get3A_11] : memref<2x1024x128xf32, #tpu.memory_space<vmem>>, vector<1x1024x128xf32>
    %get3A_13 = vector.shape_cast %get3A_12 : vector<1x1024x128xf32> to vector<1024x128xf32>
    %get3A_14 = arith.constant 1 : index
    %get3A_15 = arith.constant 0 : index
    %get3A_16 = arith.constant 0 : index
    %get3A_17 = vector.load %arg2[%get3A_14, %get3A_15, %get3A_16] : memref<2x1024x128xf32, #tpu.memory_space<vmem>>, vector<1x1024x128xf32>
    %get3A_18 = vector.shape_cast %get3A_17 : vector<1x1024x128xf32> to vector<1024x128xf32>
    %add3A_19 = arith.addf %get3A_13, %get3A_18 : vector<1024x128xf32>
    %slice3A = vector.extract_strided_slice %add3A_19 {offsets = [0, 0], sizes = [1024, 1], strides = [1, 1]} : vector<1024x128xf32> to vector<1024x1xf32>
    %max3A = arith.constant 1.000000e+00 : f32
    %max3A_20 = vector.broadcast %max3A : f32 to vector<1024x1xf32>
    %max3A_21 = arith.maximumf %slice3A, %max3A_20 : vector<1024x1xf32>
    %div3A = vector.broadcast %max3A_21 : vector<1024x1xf32> to vector<1024x128xf32>
    %div3A_22 = arith.divf %add3A, %div3A : vector<1024x128xf32>
    %get3A_23 = arith.constant 0 : index
    %get3A_24 = arith.constant 0 : index
    %get3A_25 = vector.load %arg0[%get3A_23, %get3A_24] : memref<1x1xf32, #tpu.memory_space<vmem>>, vector<1x1xf32>
    %get3A_26 = vector.extract %get3A_25[0, 0] : f32 from vector<1x1xf32>
    %add3A_27 = vector.broadcast %get3A_26 : f32 to vector<1024x128xf32>
    %add3A_28 = arith.addf %div3A_22, %add3A_27 : vector<1024x128xf32>
    %get3A_29 = arith.constant 0 : index
    %get3A_30 = arith.constant 0 : index
    %get3A_31 = vector.load %arg3[%get3A_29, %get3A_30] : memref<1024x256xf32, #tpu.memory_space<vmem>>, vector<1024x256xf32>
    %get3A_32 = arith.constant 0 : index
    %get3A_33 = arith.constant 0 : index
    %get3A_34 = vector.load %arg5[%get3A_32, %get3A_33] : memref<128x256xf32, #tpu.memory_space<vmem>>, vector<128x256xf32>
    %dot_general3A = arith.constant dense<0.000000e+00> : vector<1024x128xf32>
    %dot_general3A_35 = tpu.matmul %get3A_31, %get3A_34, %dot_general3A {dimension_numbers = #tpu.dot_dimension_numbers<[1], [1], [0], [0], [0, 0, 1, 0], [], []>, transpose_lhs_hint = false} : vector<1024x256xf32>, vector<128x256xf32>, vector<1024x128xf32> -> vector<1024x128xf32>
    %get3A_36 = arith.constant 0 : index
    %get3A_37 = arith.constant 0 : index
    %get3A_38 = vector.load %arg6[%get3A_36, %get3A_37] : memref<1x128xf32, #tpu.memory_space<vmem>>, vector<1x128xf32>
    %add3A_39 = vector.broadcast %get3A_38 : vector<1x128xf32> to vector<1024x128xf32>
    %add3A_40 = arith.addf %dot_general3A_35, %add3A_39 : vector<1024x128xf32>
    %max3A_41 = arith.constant 0.000000e+00 : f32
    %max3A_42 = vector.broadcast %max3A_41 : f32 to vector<1024x128xf32>
    %max3A_43 = arith.maximumf %add3A_40, %max3A_42 : vector<1024x128xf32>
    %concatenate3A = tpu.concatenate %add3A_28, %max3A_43 in 1 : vector<1024x128xf32>, vector<1024x128xf32> -> vector<1024x256xf32>
    %get3A_44 = arith.constant 0 : index
    %get3A_45 = arith.constant 0 : index
    %get3A_46 = vector.load %arg7[%get3A_44, %get3A_45] : memref<768x256xf32, #tpu.memory_space<vmem>>, vector<768x256xf32>
    %dot_general3A_47 = arith.constant dense<0.000000e+00> : vector<1024x768xf32>
    %dot_general3A_48 = tpu.matmul %concatenate3A, %get3A_46, %dot_general3A_47 {dimension_numbers = #tpu.dot_dimension_numbers<[1], [1], [0], [0], [0, 0, 1, 0], [], []>, transpose_lhs_hint = false} : vector<1024x256xf32>, vector<768x256xf32>, vector<1024x768xf32> -> vector<1024x768xf32>
    %get3A_49 = arith.constant 0 : index
    %get3A_50 = arith.constant 0 : index
    %get3A_51 = vector.load %arg9[%get3A_49, %get3A_50] : memref<1x768xf32, #tpu.memory_space<vmem>>, vector<1x768xf32>
    %add3A_52 = vector.broadcast %get3A_51 : vector<1x768xf32> to vector<1024x768xf32>
    %add3A_53 = arith.addf %dot_general3A_48, %add3A_52 : vector<1024x768xf32>
    %get3A_54 = arith.constant 0 : index
    %get3A_55 = arith.constant 0 : index
    %get3A_56 = vector.load %arg4[%get3A_54, %get3A_55] : memref<1024x256xf32, #tpu.memory_space<vmem>>, vector<1024x256xf32>
    %get3A_57 = arith.constant 0 : index
    %get3A_58 = arith.constant 0 : index
    %get3A_59 = vector.load %arg8[%get3A_57, %get3A_58] : memref<768x256xf32, #tpu.memory_space<vmem>>, vector<768x256xf32>
    %dot_general3A_60 = arith.constant dense<0.000000e+00> : vector<1024x768xf32>
    %dot_general3A_61 = tpu.matmul %get3A_56, %get3A_59, %dot_general3A_60 {dimension_numbers = #tpu.dot_dimension_numbers<[1], [1], [0], [0], [0, 0, 1, 0], [], []>, transpose_lhs_hint = false} : vector<1024x256xf32>, vector<768x256xf32>, vector<1024x768xf32> -> vector<1024x768xf32>
    %get3A_62 = arith.constant 0 : index
    %get3A_63 = arith.constant 0 : index
    %get3A_64 = vector.load %arg10[%get3A_62, %get3A_63] : memref<1x768xf32, #tpu.memory_space<vmem>>, vector<1x768xf32>
    %add3A_65 = vector.broadcast %get3A_64 : vector<1x768xf32> to vector<1024x768xf32>
    %add3A_66 = arith.addf %dot_general3A_61, %add3A_65 : vector<1024x768xf32>
    %slice3A_67 = vector.extract_strided_slice %add3A_53 {offsets = [0, 0], sizes = [1024, 256], strides = [1, 1]} : vector<1024x768xf32> to vector<1024x256xf32>
    %slice3A_68 = vector.extract_strided_slice %add3A_53 {offsets = [0, 256], sizes = [1024, 256], strides = [1, 1]} : vector<1024x768xf32> to vector<1024x256xf32>
    %slice3A_69 = vector.extract_strided_slice %add3A_53 {offsets = [0, 512], sizes = [1024, 256], strides = [1, 1]} : vector<1024x768xf32> to vector<1024x256xf32>
    %slice3A_70 = vector.extract_strided_slice %add3A_66 {offsets = [0, 0], sizes = [1024, 256], strides = [1, 1]} : vector<1024x768xf32> to vector<1024x256xf32>
    %slice3A_71 = vector.extract_strided_slice %add3A_66 {offsets = [0, 256], sizes = [1024, 256], strides = [1, 1]} : vector<1024x768xf32> to vector<1024x256xf32>
    %slice3A_72 = vector.extract_strided_slice %add3A_66 {offsets = [0, 512], sizes = [1024, 256], strides = [1, 1]} : vector<1024x768xf32> to vector<1024x256xf32>
    %add3A_73 = arith.addf %slice3A_67, %slice3A_70 : vector<1024x256xf32>
    %logistic3A = arith.negf %add3A_73 : vector<1024x256xf32>
    %logistic3A_74 = math.exp %logistic3A : vector<1024x256xf32>
    %logistic3A_75 = arith.constant 1.000000e+00 : f32
    %logistic3A_76 = vector.broadcast %logistic3A_75 : f32 to vector<1024x256xf32>
    %logistic3A_77 = arith.addf %logistic3A_76, %logistic3A_74 : vector<1024x256xf32>
    %logistic3A_78 = arith.divf %logistic3A_76, %logistic3A_77 : vector<1024x256xf32>
    %add3A_79 = arith.addf %slice3A_68, %slice3A_71 : vector<1024x256xf32>
    %logistic3A_80 = arith.negf %add3A_79 : vector<1024x256xf32>
    %logistic3A_81 = math.exp %logistic3A_80 : vector<1024x256xf32>
    %logistic3A_82 = arith.constant 1.000000e+00 : f32
    %logistic3A_83 = vector.broadcast %logistic3A_82 : f32 to vector<1024x256xf32>
    %logistic3A_84 = arith.addf %logistic3A_83, %logistic3A_81 : vector<1024x256xf32>
    %logistic3A_85 = arith.divf %logistic3A_83, %logistic3A_84 : vector<1024x256xf32>
    %mul3A = arith.mulf %logistic3A_78, %slice3A_72 : vector<1024x256xf32>
    %add3A_86 = arith.addf %slice3A_69, %mul3A : vector<1024x256xf32>
    %tanh3A = math.tanh %add3A_86 : vector<1024x256xf32>
    %sub3A = arith.constant 1.000000e+00 : f32
    %sub3A_87 = vector.broadcast %sub3A : f32 to vector<1024x256xf32>
    %sub3A_88 = arith.subf %sub3A_87, %logistic3A_85 : vector<1024x256xf32>
    %mul3A_89 = arith.mulf %sub3A_88, %tanh3A : vector<1024x256xf32>
    %mul3A_90 = arith.mulf %logistic3A_85, %get3A_56 : vector<1024x256xf32>
    %add3A_91 = arith.addf %mul3A_89, %mul3A_90 : vector<1024x256xf32>
    %swap3A = arith.constant 0 : index
    %swap3A_92 = arith.constant 0 : index
    %swap3A_93 = vector.load %arg11[%swap3A, %swap3A_92] : memref<1024x256xf32, #tpu.memory_space<vmem>>, vector<1024x256xf32>
    tpu.vector_store %arg11[%swap3A, %swap3A_92], %add3A_91 {strides = array<i32>} : memref<1024x256xf32, #tpu.memory_space<vmem>>, vector<1024x256xf32>,
    return
  }
}

</mosaic_0001>

<sc_bundles>
// kernel: kernel.4.cloned.1.call-start
scs
__scs_entry_jumppad:
0x0: {  	(pc) =	sbr.rel $0x88, $3  }
0x1: {  	(tag) =	ssettag $0x0;
	lr =	simm.s32 $0x1  }
0x2: {  	[smem:$0x3F96] =	sst lr;
	_ =	strace $0xD0000000  }
0x3: {  	_ = 	snop  }
0x4: {  	_ = 	snop  }
0x5: {  	_ = 	snop  }
0x6: {  	_ = 	snop  }
0x7: {  	_ = 	snop  }
__scs_overlays_trampoline_lowered:
0x8: {  	[smem:$0x3FA5] =	sst s0  }
0x9: {  	[smem:$0x3FA6] =	sst s1  }
0xa: {  	[smem:$0x3FA7] =	sst s2  }
0xb: {  	[smem:$0x3FA8] =	sst s3  }
0xc: {  	[smem:$0x3FA9] =	sst s4  }
0xd: {  	[smem:$0x3FAA] =	sst s5  }
0xe: {  	[smem:$0x3FAB] =	sst s6  }
0xf: {  	[smem:$0x3FAC] =	sst s7  }
0x10: {  	[smem:$0x3FAD] =	sst s8  }
0x11: {  	[smem:$0x3FAE] =	sst s9;
	s0 =	simm.s32 @!p0 $0x0  }
0x12: {  	s1 =	sld [smem:$0x3F94];
	s0 =	simm.s32 @p0 $0x1  }
0x13: {  	[smem:$0x3FAF] =	sst s0;
	s0 =	simm.s32 @!p1 $0x0  }
0x14: {  	s2 =	sld [smem:$0x3F93];
	s0 =	simm.s32 @p1 $0x1  }
0x15: {  	[smem:$0x3FB0] =	sst s0;
	s0 =	simm.s32 @!p2 $0x0  }
0x16: {  	s3 =	sld [smem:$0x3FDB];
	s0 =	simm.s32 @p2 $0x1  }
0x17: {  	s4 =	simm.s32 $0x1BF5;
	[smem:$0x3FB2] =	sst s0  }
0x18: {  	s0 =	sld [smem:$0x3F95];
	_ =	swait.ge [sflag:s4], $0x0  }
0x19: {  	s7 =	sld [smem:$0x3F96]  }
0x1a: {  	s8 =	sadd.s32 $0xFFFFE003, lr  }
0x1b: {  	s9 =	sadd.s32 $0xFFFFFEF7, lr;
	s5 =	simm.s32 $0xFFFFFFFF;
	p2 =	slt.u32 s8, $0xFFFFF086  }
0x1c: {  	p1 =	slt.u32 s9, $0xF7A;
	s5 =	simm.s32 @!p2 $0x0  }
0x1d: {  	s5 =	simm.s32 @p1 $0x1;
	p0 =	seq.s32 s7, s2  }
0x1e: {  	s7 =	smul.u32 @!p0 $0xF7A, s2;
	p2 =	seq.s32 @!p0 s5, $0x0  }
0x1f: {  	s9 =	smul.u32 $0xF7A, s1;
	s8 =	simm.s32 @!p0 $0x1BF5;
	p2 =	por !p2, p0  }
0x20: {  	[sflag:s8] =	ssyncset.s32 @!p0 $0xFFFFF086;
	s6 =	sadd.s32 @!p0 s3, s7;
	s7 =	simm.s32 @!p0 $0x108  }
0x21: {  	s3 =	sadd.s32 s3, s9;
	s6 =	sadd.s32 @!p0 $0x88, s6;
	s7 =	simm.s32 @p2 $0x1082  }
0x22: {  	[simem:s7], [sflag:s8] =	dma.local @!p0 [hbm:s6], $0xF7A  }
0x23: {  	s9 =	sor.u32 $0xD0000000, s2;
	s6 =	simm.s32 $0x108;
	_ =	swait.ge @!p0 [sflag:s8], $0x0  }
0x24: {  	s3 =	sadd.s32 $0x88, s3;
	s6 =	simm.s32 @!p1 $0x1082;
	[sflag:s4] =	ssyncset.s32 $0xFFFFF086  }
0x25: {  	[simem:s6], [sflag:s4] =	dma.local [hbm:s3], $0xF7A  }
0x26: {  	[smem:$0x3F96] =	sst s1;
	(tag) =	ssettag s2;
	_ =	strace s9  }
0x27: {  	s1 =	sld [smem:$0x3FA6]  }
0x28: {  	s2 =	sld [smem:$0x3FA7]  }
0x29: {  	s4 =	sld [smem:$0x3FA9]  }
0x2a: {  	p0 =	seq.s32 s5, $0x0;
	s5 =	sld [smem:$0x3FAA]  }
0x2b: {  	s6 =	sld [smem:$0x3FAB]  }
0x2c: {  	s7 =	sld [smem:$0x3FAC]  }
0x2d: {  	s3 =	simm.s32 $0x108;
	s8 =	sld [smem:$0x3FAD]  }
0x2e: {  	s3 =	simm.s32 @!p0 $0x1082;
	s9 =	sld [smem:$0x3FAE]  }
0x2f: {  	lr =	sadd.s32 s0, s3;
	s0 =	sld [smem:$0x3FA5]  }
0x30: {  	s3 =	sld [smem:$0x3FA8]  }
0x31: {  	[smem:$0x3FB1] =	sst s10  }
0x32: {  	s10 =	sld [smem:$0x3FAF];
	_ =	sdelay $0x3  }
0x33: {  	p0 =	seq.s32 s10, $0x1;
	s10 =	sld [smem:$0x3FB1];
	_ =	sdelay $0x3  }
0x34: {  	[smem:$0x3FB1] =	sst s10  }
0x35: {  	s10 =	sld [smem:$0x3FB0];
	_ =	sdelay $0x3  }
0x36: {  	p1 =	seq.s32 s10, $0x1;
	s10 =	sld [smem:$0x3FB1];
	_ =	sdelay $0x3  }
0x37: {  	[smem:$0x3FB1] =	sst s10  }
0x38: {  	s10 =	sld [smem:$0x3FB2]  }
0x39: {  	_ = 	snop;
	(pc) =	sbr.ind lr, $3  }
0x3a: {  	_ = 	snop  }
0x3b: {  	_ = 	snop  }
0x3c: {  	p2 =	seq.s32 s10, $0x1;
	s10 =	sld [smem:$0x3FB1]  }
0x3d: {  	_ =	shalt  }
0x3e: {  	_ =	shalt  }
0x3f: {  	_ =	shalt  }
0x40: {  	_ =	shalt  }
0x41: {  	_ =	shalt  }
0x42: {  	_ =	shalt  }
0x43: {  	_ =	shalt  }
0x44: {  	_ =	shalt  }
0x45: {  	_ =	shalt  }
0x46: {  	_ =	shalt  }
0x47: {  	_ =	shalt  }
0x48: {  	_ =	shalt  }
0x49: {  	_ =	shalt  }
0x4a: {  	_ =	shalt  }
0x4b: {  	_ =	shalt  }
0x4c: {  	_ =	shalt  }
0x4d: {  	_ =	shalt  }
0x4e: {  	_ =	shalt  }
0x4f: {  	_ =	shalt  }
0x50: {  	_ =	shalt  }
0x51: {  	_ =	shalt  }
0x52: {  	_ =	shalt  }
0x53: {  	_ =	shalt  }
0x54: {  	_ =	shalt  }
0x55: {  	_ =	shalt  }
0x56: {  	_ =	shalt  }
0x57: {  	_ =	shalt  }
0x58: {  	_ =	shalt  }
0x59: {  	_ =	shalt  }
0x5a: {  	_ =	shalt  }
0x5b: {  	_ =	shalt  }
0x5c: {  	_ =	shalt  }
0x5d: {  	_ =	shalt  }
0x5e: {  	_ =	shalt  }
0x5f: {  	_ =	shalt  }
0x60: {  	_ =	shalt  }
0x61: {  	_ =	shalt  }
0x62: {  	_ =	shalt  }
0x63: {  	_ =	shalt  }
0x64: {  	_ =	shalt  }
0x65: {  	_ =	shalt  }
0x66: {  	_ =	shalt  }
0x67: {  	_ =	shalt  }
0x68: {  	_ =	shalt  }
0x69: {  	_ =	shalt  }
0x6a: {  	_ =	shalt  }
0x6b: {  	_ =	shalt  }
0x6c: {  	_ =	shalt  }
0x6d: {  	_ =	shalt  }
0x6e: {  	_ =	shalt  }
0x6f: {  	_ =	shalt  }
0x70: {  	_ =	shalt  }
0x71: {  	_ =	shalt  }
0x72: {  	_ =	shalt  }
0x73: {  	_ =	shalt  }
0x74: {  	_ =	shalt  }
0x75: {  	_ =	shalt  }
0x76: {  	_ =	shalt  }
0x77: {  	_ =	shalt  }
0x78: {  	_ =	shalt  }
0x79: {  	_ =	shalt  }
0x7a: {  	_ =	shalt  }
0x7b: {  	_ =	shalt  }
0x7c: {  	_ =	shalt  }
0x7d: {  	_ =	shalt  }
0x7e: {  	_ =	shalt  }
0x7f: {  	_ =	shalt  }
0x80: {  	_ =	shalt  }
0x81: {  	_ =	shalt  }
0x82: {  	_ =	shalt  }
0x83: {  	_ =	shalt  }
0x84: {  	_ =	shalt  }
0x85: {  	_ =	shalt  }
0x86: {  	_ =	shalt  }
0x87: {  	_ =	shalt  }
.Lfunc_end0:
.L_simem_size_0:
called_computation_lowered:
.L_overlay_start_0:
0x88: {  	s2 =	sld [smem:$0x3FD9]  }
0x89: {  	s3 =	sld [smem:$0x3FFE];
	_ =	sdelay $0x1  }
0x8a: {  	s1 =	srdreg.scid  }
0x8b: {  	s0 =	sand.u32 $0x1, s1  }
0x8c: {  	s14 =	sshll.u32 s0, $0xA;
	s2 =	sadd.s32 s3, s2  }
0x8d: {  	s2 =	sadd.s32 s2, s14  }
0x8e: {  	[smem:$0x3FBD] =	sst s2  }
0x8f: {  	_ = 	snop  }
0x90: {  	s2 =	sld [smem:$0x3FD0];
	_ =	sdelay $0x1  }
0x91: {  	s15 =	sld [smem:$0x3FC9]  }
0x92: {  	s5 =	simm.s32 $0xA;
	s6 =	simm.s32 $0x10;
	s4 =	sld [smem:$0x3FC7]  }
0x93: {  	[smem:s6], [sflag:s5] =	dma.local [hbm:s2], $0x1  }
0x94: {  	_ =	swait.eq [sflag:s5], $0x1  }
0x95: {  	[sflag:s5] =	ssyncset.done $0x0  }
0x96: {  	s16 =	sld [smem:$0x10];
	[sflag:s5] =	ssyncadd.s32 $0xFFFFFFFF  }
0x97: {  	s17 =	sld [smem:$0x11];
	(tm) =	ssettm $0x1  }
0x98: {  	s18 =	sld [smem:$0x3FFB];
	_ =	sdelay $0x3  }
0x99: {  	_ =	strace s18  }
0x9a: {  	s6 =	sld [smem:$0x3FFC];
	_ =	sdelay $0x3  }
0x9b: {  	_ =	strace s6  }
0x9c: {  	s6 =	sld [smem:$0x3FFD];
	_ =	sdelay $0x3  }
0x9d: {  	_ =	strace s6  }
0x9e: {  	_ =	strace $0x8FFFFFFF  }
0x9f: {  	s19 =	sld [smem:$0x3FDB];
	_ =	sdelay $0x1  }
0xa0: {  	s7 =	simm.s32 $_scs_section_size  }
0xa1: {  	s8 =	simm.s32 $_size__tile_overlayer_lowered;
	s9 =	simm.s32 $_tile_overlayer_lowered  }
0xa2: {  	s22 =	simm.s32 $0x1BFF;
	s21 =	sshll.u32 s9, $0x1;
	s6 =	sadd.s32 s7, s19  }
0xa3: {  	s10 =	simm.s32 $0x0;
	s20 =	sshll.u32 s8, $0x1;
	s8 =	sadd.s32 s21, s6  }
0xa4: {  	[timem:s10], [sflag:s22] =	dma.local [hbm:s8], s20  }
0xa5: {  	_ =	swait.ge [sflag:s22], s20  }
0xa6: {  	s7 =	ssub.s32 $0x0, s20;
	[sflag:s22] =	ssyncset.done $0x0  }
0xa7: {  	[sflag:s22] =	ssyncadd.s32 s7;
	_ =	sdelay $0x1  }
0xa8: {  	s23 =	simm.s32 $0x1B8B  }
0xa9: {  	_ =	swait.ge [sflag:s23], $0x1  }
0xaa: {  	[sflag:s23] =	ssyncset.done $0x0  }
0xab: {  	s25 =	simm.s32 $0x1B8E;
	s24 =	sld [smem:$0x3FFE];
	[sflag:s23] =	ssyncadd.s32 $0xFFFFFFFF  }
0xac: {  	s26 =	simm.s32 $execute0_lowered;
	[smem:$0x3FD2] =	sst s25  }
0xad: {  	s8 =	sshll.u32 s26, $0x1;
	_ =	strace $0x80000046;
	[dreg:$0x1] =	wrdreg $0xFFFFFFFF  }
0xae: {  	s28 =	simm.s32 $_size_execute0_lowered;
	s6 =	sadd.s32 s6, s8;
	[dreg:$0x0] =	wrdreg $0x0  }
0xaf: {  	s8 =	sshll.u32 s28, $0x1;
	[dreg:$0x2] =	wrdreg s6  }
0xb0: {  	[dreg:$0x3] =	wrdreg s8  }
0xb1: {  	[dreg:$0x4] =	wrdreg $0xC0  }
0xb2: {  	_ =	task [dreg:s10], $0x5FFFF  }
0xb3: {  	[dreg:$0x1] =	wrdreg $0xFFFFFFFF  }
0xb4: {  	[dreg:$0x0] =	wrdreg $0x60  }
0xb5: {  	[dreg:$0x2] =	wrdreg s15  }
0xb6: {  	[dreg:$0x3] =	wrdreg s4  }
0xb7: {  	[dreg:$0x4] =	wrdreg s24  }
0xb8: {  	[dreg:$0x5] =	wrdreg s17  }
0xb9: {  	[dreg:$0x6] =	wrdreg s16  }
0xba: {  	[dreg:$0x7] =	wrdreg $0x0  }
0xbb: {  	[dreg:$0x8] =	wrdreg $0x20000  }
0xbc: {  	[dreg:$0x9] =	wrdreg $0x9  }
0xbd: {  	_ =	task.clear_ibuf [dreg:s10], $0xAFFFF;
	_ =	strace $0x90000046  }
0xbe: {  	s29 =	simm.s32 $0x9;
	_ =	strace $0x80000048  }
0xbf: {  	_ =	swait.ge [sflag:s29], $0x1  }
0xc0: {  	[sflag:s29] =	ssyncadd.s32 $0xFFFFFFFF  }
0xc1: {  	_ =	strace $0x90000048  }
0xc2: {  	_ =	sfence  }
0xc3: {  	s30 =	sld [smem:$0x0];
	_ =	sdelay $0x2  }
0xc4: {  	s31 =	sshll.u32 s1, $0xD;
	s1 =	sshrl.u32 s1, $0x2  }
0xc5: {  	s3 =	sand.u32 $0x4000, s31;
	s1 =	sadd.s32 s1, s30  }
0xc6: {  	s0 =	sor.u32 s3, s0;
	s1 =	sshll.u32 s1, $0x11  }
0xc7: {  	s0 =	sor.u32 s1, s0  }
0xc8: {  	s0 =	sadd.s32 $0x8F2B, s0  }
0xc9: {  	[sflag:s0] =	ssyncadd.remote.s32 $0x1  }
0xca: {  	_ =	sfence.sel $0xFFFF  }
0xcb: {  	[dreg:$0x0] =	wrdreg $0xFFFFFFFF;
	(pc) =	sbr.abs _section_cstart, $3  }
0xcc: {  	[dreg:$0x1] =	wrdreg $0xFFFFFFFF  }
0xcd: {  	_ =	task.clear_ibuf [dreg:s10], $0x2FFFF;
	_ =	strace $0x9FFFFFFF  }
0xce: {  	(tm) =	ssettm $0x7FFFFFFF  }
0xcf: {  	_ =	shalt  }
tec
execute0_lowered:
.L_overlay_start_1:
0x0: {  	(tag) =	ssettag $0x1  }
0x1: {  	s12 =	rddreg [dreg:$0x0]  }
0x2: {  	s13 =	rddreg [dreg:$0x1]  }
0x3: {  	s6 =	rddreg [dreg:$0x2]  }
0x4: {  	s9 =	rddreg [dreg:$0x3]  }
0x5: {  	s10 =	rddreg [dreg:$0x4]  }
0x6: {  	s1 =	rddreg [dreg:$0x5]  }
0x7: {  	s2 =	rddreg [dreg:$0x6]  }
0x8: {  	s3 =	simm.s32 $0x0;
	s4 =	srdreg.scid;
	s14 =	stileid.u32  }
0x9: {  	s19 =	simm.s32 $0x4000;
	s20 =	simm.s32 $0xC000;
	s21 =	simm.s32 $0x0  }
0xa: {  	[smem:$0x7FF] =	sst s3;
	s15 =	sand.u32 $0x1, s4;
	s5 =	sshll.u32 s14, $0x1  }
0xb: {  	s4 =	sadd.s32 $0x2400, s6;
	s6 =	sadd.s32 $0x1C00, s6;
	s16 =	sadd.s32 $0x186800, s12  }
0xc: {  	s28 =	sadd.s32 $0x30D0, s13;
	s29 =	sshll.u32 s14, $0xC;
	s31 =	sshll.u32 s14, $0x5  }
0xd: {  	p0 =	sne.s32 s14, $0x0;
	_ =	strace $0x80000047;
	s7 =	ssub.s32 $0x2, s15  }
0xe: {  	s5 =	sor.u32 s15, s5;
	[dreg:$0x8] =	wrdreg s16;
	s17 =	sshll.u32 s15, $0xE  }
0xf: {  	[dreg:$0x9] =	wrdreg s28;
	s30 =	sshll.u32 s15, $0xB;
	s15 =	sshll.u32 s15, $0x4  }
0x10: {  	s14 =	sshrl.u32 @!p0 s1, $0x3;
	s8 =	sshrl.u32 s7, $0x1;
	s25 =	sshll.u32 s5, $0xB  }
0x11: {  	s26 =	sshll.u32 s5, $0x4;
	s9 =	sadd.s32 s9, s17;
	s10 =	sadd.s32 s10, s17  }
0x12: {  	s17 =	simm.s32 $0x5;
	s11 =	ssub.s32 s7, s8;
	s7 =	sadd.s32 s12, s25  }
0x13: {  	s8 =	sadd.s32 s13, s26;
	s12 =	sadd.s32 s29, s12;
	s13 =	sadd.s32 s31, s13  }
0x14: {  	s11 =	smax.u32 s11, $0x1;
	s12 =	sadd.s32 s30, s12;
	s13 =	sadd.s32 s15, s13  }
0x15: {  	s15 =	sshrl.u32 @!p0 s2, $0x3;
	s12 =	sadd.s32 $0x20000, s12;
	s13 =	sadd.s32 $0x400, s13  }
.LBB2_1:
0x16: {  	s22 =	simm.s32 @!p0 $0x1C05;
	s23 =	simm.s32 @!p0 $0x5  }
0x17: {  	[spmem:s14], [sflag:s22] =	dma.local @!p0 [hbm:s4], $0x4000  }
0x18: {  	_ =	swait.ge @!p0 [sflag:s23], $0x4000  }
0x19: {  	[sflag:s23] =	ssyncset.done @!p0 $0x0  }
0x1a: {  	[sflag:s23] =	ssyncadd.s32 @!p0 $0xFFFFC000  }
0x1b: {  	[spmem:s15], [sflag:s22] =	dma.local @!p0 [hbm:s4], $0x4000  }
0x1c: {  	_ =	swait.ge @!p0 [sflag:s23], $0x4000  }
0x1d: {  	[sflag:s23] =	ssyncset.done @!p0 $0x0  }
0x1e: {  	s0 =	simm.s32 $0xC100;
	[sflag:s23] =	ssyncadd.s32 @!p0 $0xFFFFC000  }
0x1f: {  	[tilespmem:s0], [sflag:$0x5] =	stream.linear.gather [hbm4b:s6+s3], $0x4000, $0x38;
	[tilespmem:$0x12180] =	vst v63  }
0x20: {  	_ =	swait.ge [sflag:s17], $0x4000  }
0x21: {  	[sflag:s17] =	ssyncset.done $0x0  }
0x22: {  	s28 =	simm.s32 $0x11180;
	s24 =	sadd.s32 $0x0, s5;
	[sflag:s17] =	ssyncadd.s32 $0xFFFFC000  }
0x23: {  	[tilespmem:s28], [sflag:$0x5] =	stream.linear.gather [hbm4b:s6+s3], $0x1000, $0x38;
	[tilespmem:$0x12180] =	vst v63  }
0x24: {  	s31 =	sadd.s32 $0x20, s24;
	_ =	swait.ge [sflag:s17], $0x1000  }
0x25: {  	s25 =	sadd.s32 $0xFFFFFCF3, s24;
	p2 =	sgt.u32 s24, $0x30C;
	[sflag:s17] =	ssyncset.done $0x0  }
0x26: {  	p1 =	sgt.u32 s31, $0x30C;
	p3 =	sne.s32 @p2 s25, $0x0;
	[sflag:s17] =	ssyncadd.s32 $0xFFFFF000  }
0x27: {  	[tilespmem:s19], [sflag:$0x1] =	stream.linear.gather [hbm4b:s7+s3], $0x4000, $0x38;
	[tilespmem:$0x12180] =	vst v63  }
0x28: {  	s26 =	simm.s32 @!p1 $0x0;
	p3 =	por p3, !p2  }
0x29: {  	[tilespmem:s20], [sflag:$0x3] =	stream.linear.gather [hbm4b:s8+s3], $0x80, $0x38;
	[tilespmem:$0x12180] =	vst v63  }
0x2a: {  	s22 =	sadd.s32 @!p1 $0xFFFF0000, s12;
	s23 =	simm.s32 @!p1 $0x8000;
	[bflag:$0x0] =	sbarrier.arrive $0xFFFF  }
0x2b: {  	[tilespmem:s23], [sflag:$0x2] =	stream.linear.gather @!p1 [hbm4b:s22+s26], $0x4000, $0x38;
	[tilespmem:$0x12180] =	vst v63  }
0x2c: {  	s29 =	simm.s32 @!p3 $0x6;
	s28 =	sadd.s32 @!p1 $0xFFFFFE00, s13;
	s22 =	simm.s32 @!p1 $0xC080  }
0x2d: {  	[tilespmem:s22], [sflag:$0x4] =	stream.linear.gather @!p1 [hbm4b:s28+s26], $0x80, $0x38;
	[tilespmem:$0x12180] =	vst v63  }
0x2e: {  	s25 =	rddreg [dreg:$0x8];
	s26 =	simm.s32 @!p3 $0x0;
	s28 =	simm.s32 @!p3 $0x10100  }
0x2f: {  	[tilespmem:s28], [sflag:$0x6] =	stream.linear.gather @!p3 [hbm4b:s25+s26], $0x1000, $0x38;
	[tilespmem:$0x12180] =	vst v63  }
0x30: {  	_ =	swait.ge @!p3 [sflag:s29], $0x1000  }
0x31: {  	[sflag:s29] =	ssyncset.done @!p3 $0x0  }
0x32: {  	s30 =	simm.s32 @!p3 $0x11100;
	s25 =	rddreg [dreg:$0x9];
	[sflag:s29] =	ssyncadd.s32 @!p3 $0xFFFFF000  }
0x33: {  	[tilespmem:s30], [sflag:$0x6] =	stream.linear.gather @!p3 [hbm4b:s25+s26], $0x20, $0x38;
	[tilespmem:$0x12180] =	vst v63  }
0x34: {  	_ =	swait.ge @!p3 [sflag:s29], $0x20  }
0x35: {  	[sflag:s29] =	ssyncset.done @!p3 $0x0  }
0x36: {  	s25 =	simm.s32 @!p3 $0x20;
	[sflag:s29] =	ssyncadd.s32 @!p3 $0xFFFFFFE0  }
0x37: {  	[spmem:s1] =	stream.indirect.scatter.add.f32 @!p3 [tilespmem:s28], [sflag:$0x6], $0x80, s30, s25, $0xb8;
	[tilespmem:$0x12180] =	vst v63  }
0x38: {  	_ =	swait.ge @!p3 [sflag:s29], $0x1000  }
0x39: {  	[sflag:s29] =	ssyncset.done @!p3 $0x0  }
0x3a: {  	s26 =	simm.s32 @!p3 $0x11180;
	[sflag:s29] =	ssyncadd.s32 @!p3 $0xFFFFF000  }
0x3b: {  	[spmem:s2] =	stream.indirect.scatter.add.f32 @!p3 [tilespmem:s26], [sflag:$0x6], $0x80, s30, s25, $0xb8;
	[tilespmem:$0x12180] =	vst v63  }
0x3c: {  	_ =	swait.ge @!p3 [sflag:s29], $0x1000  }
0x3d: {  	[sflag:s29] =	ssyncset.done @!p3 $0x0  }
0x3e: {  	s25 =	simm.s32 @!p2 $0x1;
	[sflag:s29] =	ssyncadd.s32 @!p3 $0xFFFFF000  }
0x3f: {  	_ =	swait.ge @!p2 [sflag:s25], $0x4000  }
0x40: {  	[sflag:s25] =	ssyncset.done @!p2 $0x0  }
0x41: {  	s26 =	simm.s32 @!p2 $0x3;
	[sflag:s25] =	ssyncadd.s32 @!p2 $0xFFFFC000  }
0x42: {  	_ =	swait.ge @!p2 [sflag:s26], $0x80  }
0x43: {  	s28 =	simm.s32 @!p2 $0x80;
	s29 =	simm.s32 @!p2 $0xC000;
	[sflag:s26] =	ssyncset.done @!p2 $0x0  }
0x44: {  	s25 =	simm.s32 @!p2 $0x4000;
	[sflag:s26] =	ssyncadd.s32 @!p2 $0xFFFFFF80;
	s26 =	simm.s32 @!p2 $0x6  }
0x45: {  	[spmem:s1] =	stream.indirect.scatter.add.f32 @!p2 [tilespmem:s25], [sflag:$0x6], $0x80, s29, s28, $0xb8;
	[tilespmem:$0x12180] =	vst v63  }
0x46: {  	_ =	swait.ge @!p2 [sflag:s26], $0x4000  }
0x47: {  	[sflag:s26] =	ssyncset.done @!p2 $0x0  }
0x48: {  	s25 =	simm.s32 @!p2 $0xC100;
	[sflag:s26] =	ssyncadd.s32 @!p2 $0xFFFFC000  }
0x49: {  	[spmem:s2] =	stream.indirect.scatter.add.f32 @!p2 [tilespmem:s25], [sflag:$0x6], $0x80, s29, s28, $0xb8;
	[tilespmem:$0x12180] =	vst v63  }
0x4a: {  	s24 =	sadd.s32 $0x40, s24;
	_ =	swait.ge @!p2 [sflag:s26], $0x4000  }
0x4b: {  	p1 =	por p1, p1;
	p3 =	sgt.u32 s24, $0x30C;
	[sflag:s26] =	ssyncset.done @!p2 $0x0  }
0x4c: {  	s24 =	simm.s32 @!p3 $0x0;
	s25 =	simm.s32 @!p3 $0x4000;
	[sflag:s26] =	ssyncadd.s32 @!p2 $0xFFFFC000  }
0x4d: {  	[tilespmem:s25], [sflag:$0x1] =	stream.linear.gather @!p3 [hbm4b:s12+s24], $0x4000, $0x38;
	[tilespmem:$0x12180] =	vst v63  }
0x4e: {  	s26 =	simm.s32 @!p1 $0x2;
	s25 =	simm.s32 @!p3 $0xC000  }
0x4f: {  	[tilespmem:s25], [sflag:$0x3] =	stream.linear.gather @!p3 [hbm4b:s13+s24], $0x80, $0x38;
	[tilespmem:$0x12180] =	vst v63  }
0x50: {  	_ =	swait.ge @!p1 [sflag:s26], $0x4000  }
0x51: {  	[sflag:s26] =	ssyncset.done @!p1 $0x0  }
0x52: {  	s24 =	simm.s32 @!p1 $0x4;
	[sflag:s26] =	ssyncadd.s32 @!p1 $0xFFFFC000  }
0x53: {  	_ =	swait.ge @!p1 [sflag:s24], $0x80  }
0x54: {  	[sflag:s24] =	ssyncset.done @!p1 $0x0  }
0x55: {  	s30 =	simm.s32 @!p1 $0x6;
	s25 =	simm.s32 @!p1 $0x80;
	[sflag:s24] =	ssyncadd.s32 @!p1 $0xFFFFFF80  }
0x56: {  	[spmem:s1] =	stream.indirect.scatter.add.f32 @!p1 [tilespmem:s23], [sflag:$0x6], $0x80, s22, s25, $0xb8;
	[tilespmem:$0x12180] =	vst v63  }
0x57: {  	_ =	swait.ge @!p1 [sflag:s30], $0x4000  }
0x58: {  	[sflag:s30] =	ssyncset.done @!p1 $0x0  }
0x59: {  	s29 =	sadd.s32 $0x40, s5;
	s23 =	simm.s32 @!p1 $0xC100;
	[sflag:s30] =	ssyncadd.s32 @!p1 $0xFFFFC000  }
0x5a: {  	[spmem:s2] =	stream.indirect.scatter.add.f32 @!p1 [tilespmem:s23], [sflag:$0x6], $0x80, s22, s25, $0xb8;
	[tilespmem:$0x12180] =	vst v63  }
0x5b: {  	s26 =	sadd.s32 $0xFFFFFCF3, s29;
	s24 =	simm.s32 $0x80;
	s22 =	sadd.s32 $0x400, s13  }
0x5c: {  	s23 =	sadd.s32 $0x20000, s12;
	s25 =	sadd.s32 $0x20, s29;
	_ =	swait.ge @!p1 [sflag:s30], $0x4000  }
.LBB2_2:
0x5d: {  	p5 =	sgt.u32 s25, $0x30C;
	p3 =	sgt.u32 s29, $0x30C;
	[sflag:s30] =	ssyncset.done @!p1 $0x0  }
0x5e: {  	s16 =	rddreg [dreg:$0x8];
	s31 =	sadd.s32 @!p5 $0xFFFF0000, s23;
	s0 =	simm.s32 @!p5 $0x0  }
0x5f: {  	s28 =	simm.s32 @!p5 $0x8000;
	p2 =	sne.s32 @p3 s26, $0x0;
	[sflag:s30] =	ssyncadd.s32 @!p1 $0xFFFFC000  }
0x60: {  	[tilespmem:s28], [sflag:$0x2] =	stream.linear.gather @!p5 [hbm4b:s31+s0], $0x4000, $0x38;
	[tilespmem:$0x12180] =	vst v63  }
0x61: {  	s30 =	sadd.s32 @!p5 $0xFFFFFE00, s22;
	s26 =	simm.s32 @!p5 $0xC080;
	p4 =	por p2, !p3  }
0x62: {  	[tilespmem:s26], [sflag:$0x4] =	stream.linear.gather @!p5 [hbm4b:s30+s0], $0x80, $0x38;
	[tilespmem:$0x12180] =	vst v63  }
0x63: {  	s31 =	simm.s32 @!p4 $0x6;
	s0 =	simm.s32 @!p4 $0x0;
	s30 =	simm.s32 @!p4 $0x10100  }
0x64: {  	[tilespmem:s30], [sflag:$0x6] =	stream.linear.gather @!p4 [hbm4b:s16+s0], $0x1000, $0x38;
	[tilespmem:$0x12180] =	vst v63  }
0x65: {  	_ =	swait.ge @!p4 [sflag:s31], $0x1000  }
0x66: {  	[sflag:s31] =	ssyncset.done @!p4 $0x0  }
0x67: {  	s18 =	simm.s32 @!p4 $0x11100;
	s16 =	rddreg [dreg:$0x9];
	[sflag:s31] =	ssyncadd.s32 @!p4 $0xFFFFF000  }
0x68: {  	[tilespmem:s18], [sflag:$0x6] =	stream.linear.gather @!p4 [hbm4b:s16+s0], $0x20, $0x38;
	[tilespmem:$0x12180] =	vst v63  }
0x69: {  	_ =	swait.ge @!p4 [sflag:s31], $0x20  }
0x6a: {  	[sflag:s31] =	ssyncset.done @!p4 $0x0  }
0x6b: {  	s0 =	simm.s32 @!p4 $0x20;
	[sflag:s31] =	ssyncadd.s32 @!p4 $0xFFFFFFE0  }
0x6c: {  	[spmem:s1] =	stream.indirect.scatter.add.f32 @!p4 [tilespmem:s30], [sflag:$0x6], $0x80, s18, s0, $0xb8;
	[tilespmem:$0x12180] =	vst v63  }
0x6d: {  	_ =	swait.ge @!p4 [sflag:s31], $0x1000  }
0x6e: {  	[sflag:s31] =	ssyncset.done @!p4 $0x0  }
0x6f: {  	s16 =	simm.s32 @!p4 $0x11180;
	[sflag:s31] =	ssyncadd.s32 @!p4 $0xFFFFF000  }
0x70: {  	[spmem:s2] =	stream.indirect.scatter.add.f32 @!p4 [tilespmem:s16], [sflag:$0x6], $0x80, s18, s0, $0xb8;
	[tilespmem:$0x12180] =	vst v63  }
0x71: {  	_ =	swait.ge @!p4 [sflag:s31], $0x1000  }
0x72: {  	[sflag:s31] =	ssyncset.done @!p4 $0x0  }
0x73: {  	s0 =	simm.s32 @!p3 $0x1;
	[sflag:s31] =	ssyncadd.s32 @!p4 $0xFFFFF000  }
0x74: {  	_ =	swait.ge @!p3 [sflag:s0], $0x4000  }
0x75: {  	[sflag:s0] =	ssyncset.done @!p3 $0x0  }
0x76: {  	s16 =	simm.s32 @!p3 $0x3;
	[sflag:s0] =	ssyncadd.s32 @!p3 $0xFFFFC000  }
0x77: {  	_ =	swait.ge @!p3 [sflag:s16], $0x80  }
0x78: {  	s30 =	simm.s32 @!p3 $0xC000;
	s18 =	simm.s32 @!p3 $0x80;
	[sflag:s16] =	ssyncset.done @!p3 $0x0  }
0x79: {  	s0 =	simm.s32 @!p3 $0x4000;
	[sflag:s16] =	ssyncadd.s32 @!p3 $0xFFFFFF80;
	s16 =	simm.s32 @!p3 $0x6  }
0x7a: {  	[spmem:s1] =	stream.indirect.scatter.add.f32 @!p3 [tilespmem:s0], [sflag:$0x6], $0x80, s30, s18, $0xb8;
	[tilespmem:$0x12180] =	vst v63  }
0x7b: {  	_ =	swait.ge @!p3 [sflag:s16], $0x4000  }
0x7c: {  	[sflag:s16] =	ssyncset.done @!p3 $0x0  }
0x7d: {  	s0 =	simm.s32 @!p3 $0xC100;
	[sflag:s16] =	ssyncadd.s32 @!p3 $0xFFFFC000  }
0x7e: {  	[spmem:s2] =	stream.indirect.scatter.add.f32 @!p3 [tilespmem:s0], [sflag:$0x6], $0x80, s30, s18, $0xb8;
	[tilespmem:$0x12180] =	vst v63  }
0x7f: {  	s29 =	sadd.s32 $0x40, s29;
	_ =	swait.ge @!p3 [sflag:s16], $0x4000  }
0x80: {  	p1 =	por p5, p5;
	p4 =	sgt.u32 s29, $0x30C;
	[sflag:s16] =	ssyncset.done @!p3 $0x0  }
0x81: {  	s0 =	simm.s32 @!p4 $0x0;
	s18 =	simm.s32 @!p4 $0x4000;
	[sflag:s16] =	ssyncadd.s32 @!p3 $0xFFFFC000  }
0x82: {  	[tilespmem:s18], [sflag:$0x1] =	stream.linear.gather @!p4 [hbm4b:s23+s0], $0x4000, $0x38;
	[tilespmem:$0x12180] =	vst v63  }
0x83: {  	s16 =	simm.s32 @!p4 $0xC000;
	s18 =	simm.s32 @!p1 $0x2  }
0x84: {  	[tilespmem:s16], [sflag:$0x3] =	stream.linear.gather @!p4 [hbm4b:s22+s0], $0x80, $0x38;
	[tilespmem:$0x12180] =	vst v63  }
0x85: {  	_ =	swait.ge @!p1 [sflag:s18], $0x4000  }
0x86: {  	[sflag:s18] =	ssyncset.done @!p1 $0x0  }
0x87: {  	s0 =	simm.s32 @!p1 $0x4;
	[sflag:s18] =	ssyncadd.s32 @!p1 $0xFFFFC000  }
0x88: {  	s25 =	smov.u32 s24;
	s24 =	sadd.s32 $0x40, s24;
	_ =	swait.ge @!p1 [sflag:s0], $0x80  }
0x89: {  	p2 =	sne.s32 s24, $0x340;
	[sflag:s0] =	ssyncset.done @!p1 $0x0  }
0x8a: {  	s30 =	simm.s32 @!p1 $0x6;
	s16 =	simm.s32 @!p1 $0x80;
	[sflag:s0] =	ssyncadd.s32 @!p1 $0xFFFFFF80  }
0x8b: {  	[spmem:s1] =	stream.indirect.scatter.add.f32 @!p1 [tilespmem:s28], [sflag:$0x6], $0x80, s26, s16, $0xb8;
	[tilespmem:$0x12180] =	vst v63  }
.Ltmp0:
0x8c: {  	s29 =	sadd.s32 s25, s5;
	_ =	swait.ge @!p1 [sflag:s30], $0x4000;
	(pc) =	sbr.rel @p2 .LBB2_2-.Ltmp0, $4  }
0x8d: {  	s25 =	sadd.s32 $0x20, s29;
	[sflag:s30] =	ssyncset.done @!p1 $0x0  }
0x8e: {  	s23 =	sadd.s32 $0x20000, s23;
	s0 =	simm.s32 @!p1 $0xC100;
	[sflag:s30] =	ssyncadd.s32 @!p1 $0xFFFFC000  }
0x8f: {  	[spmem:s2] =	stream.indirect.scatter.add.f32 @!p1 [tilespmem:s0], [sflag:$0x6], $0x80, s26, s16, $0xb8;
	[tilespmem:$0x12180] =	vst v63  }
0x90: {  	s22 =	sadd.s32 $0x400, s22;
	s26 =	sadd.s32 $0xFFFFFCF3, s29;
	_ =	swait.ge @!p1 [sflag:s30], $0x4000  }
0x91: {  	p3 =	sgt.u32 s25, $0x30C;
	p2 =	sgt.u32 s29, $0x30C;
	[sflag:s30] =	ssyncset.done @!p1 $0x0  }
0x92: {  	s18 =	rddreg [dreg:$0x8];
	s0 =	sadd.s32 @!p3 $0xFFFF0000, s23;
	s16 =	simm.s32 @!p3 $0x0  }
0x93: {  	s24 =	simm.s32 @!p3 $0x8000;
	p4 =	sne.s32 @p2 s26, $0x0;
	[sflag:s30] =	ssyncadd.s32 @!p1 $0xFFFFC000  }
0x94: {  	[tilespmem:s24], [sflag:$0x2] =	stream.linear.gather @!p3 [hbm4b:s0+s16], $0x4000, $0x38;
	[tilespmem:$0x12180] =	vst v63  }
0x95: {  	s25 =	simm.s32 @!p3 $0xC080;
	s0 =	sadd.s32 @!p3 $0xFFFFFE00, s22;
	p1 =	por p4, !p2  }
0x96: {  	[tilespmem:s25], [sflag:$0x4] =	stream.linear.gather @!p3 [hbm4b:s0+s16], $0x80, $0x38;
	[tilespmem:$0x12180] =	vst v63  }
0x97: {  	s26 =	simm.s32 @!p1 $0x6;
	s0 =	simm.s32 @!p1 $0x0;
	s16 =	simm.s32 @!p1 $0x10100  }
0x98: {  	[tilespmem:s16], [sflag:$0x6] =	stream.linear.gather @!p1 [hbm4b:s18+s0], $0x1000, $0x38;
	[tilespmem:$0x12180] =	vst v63  }
0x99: {  	_ =	swait.ge @!p1 [sflag:s26], $0x1000  }
0x9a: {  	[sflag:s26] =	ssyncset.done @!p1 $0x0  }
0x9b: {  	s28 =	simm.s32 @!p1 $0x11100;
	s18 =	rddreg [dreg:$0x9];
	[sflag:s26] =	ssyncadd.s32 @!p1 $0xFFFFF000  }
0x9c: {  	[tilespmem:s28], [sflag:$0x6] =	stream.linear.gather @!p1 [hbm4b:s18+s0], $0x20, $0x38;
	[tilespmem:$0x12180] =	vst v63  }
0x9d: {  	_ =	swait.ge @!p1 [sflag:s26], $0x20  }
0x9e: {  	[sflag:s26] =	ssyncset.done @!p1 $0x0  }
0x9f: {  	s0 =	simm.s32 @!p1 $0x20;
	[sflag:s26] =	ssyncadd.s32 @!p1 $0xFFFFFFE0  }
0xa0: {  	[spmem:s1] =	stream.indirect.scatter.add.f32 @!p1 [tilespmem:s16], [sflag:$0x6], $0x80, s28, s0, $0xb8;
	[tilespmem:$0x12180] =	vst v63  }
0xa1: {  	_ =	swait.ge @!p1 [sflag:s26], $0x1000  }
0xa2: {  	[sflag:s26] =	ssyncset.done @!p1 $0x0  }
0xa3: {  	s16 =	simm.s32 @!p1 $0x11180;
	[sflag:s26] =	ssyncadd.s32 @!p1 $0xFFFFF000  }
0xa4: {  	[spmem:s2] =	stream.indirect.scatter.add.f32 @!p1 [tilespmem:s16], [sflag:$0x6], $0x80, s28, s0, $0xb8;
	[tilespmem:$0x12180] =	vst v63  }
0xa5: {  	_ =	swait.ge @!p1 [sflag:s26], $0x1000  }
0xa6: {  	[sflag:s26] =	ssyncset.done @!p1 $0x0  }
0xa7: {  	s0 =	simm.s32 @!p2 $0x1;
	[sflag:s26] =	ssyncadd.s32 @!p1 $0xFFFFF000  }
0xa8: {  	_ =	swait.ge @!p2 [sflag:s0], $0x4000  }
0xa9: {  	[sflag:s0] =	ssyncset.done @!p2 $0x0  }
0xaa: {  	s16 =	simm.s32 @!p2 $0x3;
	[sflag:s0] =	ssyncadd.s32 @!p2 $0xFFFFC000  }
0xab: {  	_ =	swait.ge @!p2 [sflag:s16], $0x80  }
0xac: {  	s18 =	simm.s32 @!p2 $0x80;
	s26 =	simm.s32 @!p2 $0xC000;
	[sflag:s16] =	ssyncset.done @!p2 $0x0  }
0xad: {  	s0 =	simm.s32 @!p2 $0x4000;
	[sflag:s16] =	ssyncadd.s32 @!p2 $0xFFFFFF80;
	s16 =	simm.s32 @!p2 $0x6  }
0xae: {  	[spmem:s1] =	stream.indirect.scatter.add.f32 @!p2 [tilespmem:s0], [sflag:$0x6], $0x80, s26, s18, $0xb8;
	[tilespmem:$0x12180] =	vst v63  }
0xaf: {  	_ =	swait.ge @!p2 [sflag:s16], $0x4000  }
0xb0: {  	[sflag:s16] =	ssyncset.done @!p2 $0x0  }
0xb1: {  	s0 =	simm.s32 @!p2 $0xC100;
	[sflag:s16] =	ssyncadd.s32 @!p2 $0xFFFFC000  }
0xb2: {  	[spmem:s2] =	stream.indirect.scatter.add.f32 @!p2 [tilespmem:s0], [sflag:$0x6], $0x80, s26, s18, $0xb8;
	[tilespmem:$0x12180] =	vst v63  }
0xb3: {  	s31 =	sadd.s32 $0x40, s29;
	_ =	swait.ge @!p2 [sflag:s16], $0x4000  }
0xb4: {  	p1 =	por p3, p3;
	p3 =	sgt.u32 s31, $0x30C;
	[sflag:s16] =	ssyncset.done @!p2 $0x0  }
0xb5: {  	s0 =	simm.s32 @!p3 $0x0;
	s18 =	simm.s32 @!p3 $0x4000;
	[sflag:s16] =	ssyncadd.s32 @!p2 $0xFFFFC000  }
0xb6: {  	[tilespmem:s18], [sflag:$0x1] =	stream.linear.gather @!p3 [hbm4b:s23+s0], $0x4000, $0x38;
	[tilespmem:$0x12180] =	vst v63  }
0xb7: {  	s16 =	simm.s32 @!p3 $0xC000;
	s18 =	simm.s32 @!p1 $0x2  }
0xb8: {  	[tilespmem:s16], [sflag:$0x3] =	stream.linear.gather @!p3 [hbm4b:s22+s0], $0x80, $0x38;
	[tilespmem:$0x12180] =	vst v63  }
0xb9: {  	_ =	swait.ge @!p1 [sflag:s18], $0x4000  }
0xba: {  	[sflag:s18] =	ssyncset.done @!p1 $0x0  }
0xbb: {  	s0 =	simm.s32 @!p1 $0x4;
	[sflag:s18] =	ssyncadd.s32 @!p1 $0xFFFFC000  }
0xbc: {  	_ =	swait.ge @!p1 [sflag:s0], $0x80  }
0xbd: {  	[sflag:s0] =	ssyncset.done @!p1 $0x0  }
0xbe: {  	s16 =	simm.s32 @!p1 $0x80;
	[sflag:s0] =	ssyncadd.s32 @!p1 $0xFFFFFF80;
	s0 =	simm.s32 @!p1 $0x6  }
0xbf: {  	[spmem:s1] =	stream.indirect.scatter.add.f32 @!p1 [tilespmem:s24], [sflag:$0x6], $0x80, s25, s16, $0xb8;
	[tilespmem:$0x12180] =	vst v63  }
0xc0: {  	_ =	swait.ge @!p1 [sflag:s0], $0x4000  }
0xc1: {  	[sflag:s0] =	ssyncset.done @!p1 $0x0  }
0xc2: {  	s18 =	simm.s32 @!p1 $0xC100;
	[sflag:s0] =	ssyncadd.s32 @!p1 $0xFFFFC000  }
0xc3: {  	[spmem:s2] =	stream.indirect.scatter.add.f32 @!p1 [tilespmem:s18], [sflag:$0x6], $0x80, s25, s16, $0xb8;
	[tilespmem:$0x12180] =	vst v63  }
0xc4: {  	_ =	swait.ge @!p1 [sflag:s0], $0x4000  }
0xc5: {  	[sflag:s0] =	ssyncset.done @!p1 $0x0  }
0xc6: {  	[sflag:s0] =	ssyncadd.s32 @!p1 $0xFFFFC000  }
0xc7: {  	s16 =	simm.s32 @!p0 $0x5;
	s0 =	simm.s32 @!p0 $0x1C05;
	[bflag:$0x0] =	sbarrier.arrive $0xFFFF  }
0xc8: {  	[hbm:s9], [sflag:s0] =	dma.local @!p0 [spmem:s14], $0x4000  }
0xc9: {  	s21 =	sadd.s32 $0x1, s21;
	_ =	swait.ge @!p0 [sflag:s16], $0x4000  }
0xca: {  	p1 =	sne.s32 s21, s11;
	[sflag:s16] =	ssyncset.done @!p0 $0x0  }
.Ltmp1:
0xcb: {  	[sflag:s16] =	ssyncadd.s32 @!p0 $0xFFFFC000;
	(pc) =	sbr.rel @p1 .LBB2_1-.Ltmp1, $4  }
0xcc: {  	[hbm:s10], [sflag:s0] =	dma.local @!p0 [spmem:s15], $0x4000  }
0xcd: {  	_ =	swait.ge @!p0 [sflag:s16], $0x4000  }
0xce: {  	[sflag:s16] =	ssyncset.done @!p0 $0x0  }
0xcf: {  	[sflag:s16] =	ssyncadd.s32 @!p0 $0xFFFFC000  }
0xd0: {  	_ =	sfence.sel $0x180000  }
0xd1: {  	[bflag:$0x0] =	sbarrier.arrive $0xFFFF  }
0xd2: {  	_ =	strace $0x90000047  }
0xd3: {  	[bflag:$0x2] =	sbarrier.arrive $0xFFFF  }
0xd4: {  	s0 =	rddreg [dreg:$0x7]  }
0xd5: {  	s0 =	sadd.s32 @!p0 $0x100000, s0  }
0xd6: {  	[sflag:s0] =	ssyncadd.tile.s32 @!p0 $0x1;
	_ =	shalt  }
.Lfunc_end2:
_tile_overlayer_lowered:
.L_overlay_start_2:
0xd7: {  	(tag) =	ssettag $0x2  }
0xd8: {  	s0 =	rddreg [dreg:$0x0];
	s2 =	stileid.u32  }
0xd9: {  	s1 =	rddreg [dreg:$0x1];
	p0 =	sne.s32 s2, $0x0  }
0xda: {  	s3 =	rddreg [dreg:$0x2];
	[bflag:$0x3] =	sbarrier.arrive $0xFFFF;
	s2 =	simm.s32 @!p0 $0x1C05  }
0xdb: {  	[timem:s3], [sflag:s2] =	dma.local @!p0 [hbm:s0], s1  }
0xdc: {  	s0 =	simm.s32 @!p0 $0x5  }
0xdd: {  	_ =	swait.ge @!p0 [sflag:s0], s1  }
0xde: {  	s1 =	ssub.s32 @!p0 $0x0, s1;
	[sflag:s0] =	ssyncset.done @!p0 $0x0  }
0xdf: {  	[sflag:s0] =	ssyncadd.s32 @!p0 s1  }
0xe0: {  	[bflag:$0x3] =	sbarrier.arrive $0xFFFF  }
0xe1: {  	_ =	shalt  }

</sc_bundles>
